<compile_context>
chip_gen: v7x
topology: tpu7x:2x2x1
jax: 0.10.2.dev20260603
libtpu: 0.0.44.dev20260713+nightly
codegen_flags: <defaults>
</compile_context>

<pallas_src>
import functools

import jax
import jax.numpy as jnp
from jax import lax
from jax.experimental import pallas as pl
from jax.experimental.pallas import tpu as pltpu
from jax.experimental.pallas import tpu_sc as plsc

_B, _N = 8, 4096
_S = 512
_RADII = (0.1, 0.2, 0.4)
_KS = (16, 32, 128)
_F32 = jnp.float32
_I32 = jnp.int32



def _fps_body(xc_ref, yc_ref, zc_ref, ox_ref, oy_ref, oz_ref):
    xc = xc_ref[...]
    yc = yc_ref[...]
    zc = zc_ref[...]
    lane = lax.broadcasted_iota(_I32, (_B, _N), 1)

    lx = xc[:, 0:1]
    ly = yc[:, 0:1]
    lz = zc[:, 0:1]
    ox_ref[0:1, :] = jnp.reshape(lx, (1, _B))
    oy_ref[0:1, :] = jnp.reshape(ly, (1, _B))
    oz_ref[0:1, :] = jnp.reshape(lz, (1, _B))

    def body(i, st):
        dists, lx, ly, lz = st
        dx = xc - lx
        dy = yc - ly
        dz = zc - lz
        d = dx * dx + dy * dy + dz * dz
        dists = jnp.minimum(dists, d)
        nxt = jnp.argmax(dists, axis=1).astype(_I32)
        oh = lane == nxt[:, None]
        lx = jnp.sum(jnp.where(oh, xc, 0.0), axis=1, keepdims=True)
        ly = jnp.sum(jnp.where(oh, yc, 0.0), axis=1, keepdims=True)
        lz = jnp.sum(jnp.where(oh, zc, 0.0), axis=1, keepdims=True)
        ox_ref[pl.ds(i, 1), :] = jnp.reshape(lx, (1, _B))
        oy_ref[pl.ds(i, 1), :] = jnp.reshape(ly, (1, _B))
        oz_ref[pl.ds(i, 1), :] = jnp.reshape(lz, (1, _B))
        return dists, lx, ly, lz

    dists0 = jnp.full((_B, _N), 1e10, dtype=_F32)
    lax.fori_loop(1, _S, body, (dists0, lx, ly, lz))


def _run_fps(xyz):
    out = pl.pallas_call(
        _fps_body,
        grid=(1,),
        in_specs=[pl.BlockSpec((_B, _N), lambda i: (0, 0))] * 3,
        out_specs=[pl.BlockSpec((_S, _B), lambda i: (0, 0))] * 3,
        out_shape=[jax.ShapeDtypeStruct((_S, _B), _F32)] * 3,
    )(xyz[:, 0, :], xyz[:, 1, :], xyz[:, 2, :])
    return out



_ST = 256


def _dist_body(newc_ref, xyzp_ref, out_ref):
    X = xyzp_ref[0]
    C = newc_ref[0]
    Ct = jnp.transpose(C, (1, 0))
    dot = lax.dot_general(Ct, X, (((1,), (0,)), ((), ())),
                          preferred_element_type=_F32)
    snorm = jnp.sum(Ct * Ct, axis=1, keepdims=True)
    nnorm = jnp.sum(X * X, axis=0, keepdims=True)
    out_ref[0] = snorm + nnorm - 2.0 * dot


def _run_dist(newc, xyzp):
    return pl.pallas_call(
        _dist_body,
        grid=(_B, _S // _ST),
        in_specs=[
            pl.BlockSpec((1, 8, _ST), lambda b, s: (b, 0, s)),
            pl.BlockSpec((1, 8, _N), lambda b, s: (b, 0, 0)),
        ],
        out_specs=pl.BlockSpec((1, _ST, _N), lambda b, s: (b, s, 0)),
        out_shape=jax.ShapeDtypeStruct((_B, _S, _N), _F32),
    )(newc, xyzp)



_NW = 32
_RPW = (_B * _S) // _NW
_NCH = _N // 16


_RB = 8


def _sc_body(dist_hbm, feat_hbm, o1, o2, o3,
             drows, idx1, idx2, idx3, gi1, gi2, gi3,
             rows1, rows2, rows3, dsem, gsem1, gsem2, gsem3):
    wid = lax.axis_index("s") * 2 + lax.axis_index("c")
    r1s = jnp.float32(_RADII[0] ** 2)
    r2s = jnp.float32(_RADII[1] ** 2)
    r3s = jnp.float32(_RADII[2] ** 2)
    lane16 = lax.iota(_I32, 16)

    def do_batch(g, carry):
        row0 = wid * _RPW + g * _RB
        pltpu.sync_copy(dist_hbm.at[pl.ds(row0, _RB)], drows)

        def do_row(rr, carry2):
            row = row0 + rr
            b = row // _S
            base = b * _N
            drow = drows.at[rr]

            def condA(st):
                c, f1, f2, f3 = st
                return jnp.logical_and(
                    c < _NCH, jnp.logical_or(f2 < _KS[1], f3 < _KS[2]))

            def stepA(st):
                c, f1, f2, f3 = st
                d = drow[pl.ds(c * 16, 16)]
                vals = lane16 + (c * 16 + base)
                m1 = d <= r1s
                m2 = d <= r2s
                m3 = d <= r3s
                plsc.store_compressed(idx1.at[pl.ds(f1, 16)], vals, mask=m1)
                plsc.store_compressed(idx2.at[pl.ds(f2, 16)], vals, mask=m2)
                plsc.store_compressed(idx3.at[pl.ds(f3, 16)], vals, mask=m3)
                f1 = jnp.minimum(f1 + jnp.sum(m1.astype(_I32)), _KS[0])
                f2 = jnp.minimum(f2 + jnp.sum(m2.astype(_I32)), _KS[1])
                f3 = jnp.minimum(f3 + jnp.sum(m3.astype(_I32)), _KS[2])
                return c + 1, f1, f2, f3

            c0, f1, f2, f3 = lax.while_loop(
                condA, stepA,
                (jnp.int32(0), jnp.int32(0), jnp.int32(0), jnp.int32(0)))

            def condB(st):
                c, f1 = st
                return jnp.logical_and(c < _NCH, f1 < _KS[0])

            def stepB(st):
                c, f1 = st
                d = drow[pl.ds(c * 16, 16)]
                m1 = d <= r1s
                plsc.store_compressed(idx1.at[pl.ds(f1, 16)],
                                      lane16 + (c * 16 + base), mask=m1)
                return c + 1, jnp.minimum(f1 + jnp.sum(m1.astype(_I32)), _KS[0])

            _, f1 = lax.while_loop(condB, stepB, (c0, f1))

            for idxb, gib, K, fcnt in ((idx1, gi1, _KS[0], f1),
                                       (idx2, gi2, _KS[1], f2),
                                       (idx3, gi3, _KS[2], f3)):
                first = jnp.full((16,), idxb[pl.ds(0, 16)][0], _I32)
                for j in range(K // 16):
                    cur = idxb[pl.ds(j * 16, 16)]
                    slot = lane16 + (j * 16)
                    gib[pl.ds(j * 16, 16)] = jnp.where(slot < fcnt, cur, first)

            cp1 = pltpu.async_copy(feat_hbm.at[gi1], rows1, gsem1)
            cp2 = pltpu.async_copy(feat_hbm.at[gi2], rows2, gsem2)
            cp3 = pltpu.async_copy(feat_hbm.at[gi3], rows3, gsem3)
            cp1.wait()
            pltpu.sync_copy(rows1, o1.at[pl.ds(row * _KS[0], _KS[0])])
            cp2.wait()
            pltpu.sync_copy(rows2, o2.at[pl.ds(row * _KS[1], _KS[1])])
            cp3.wait()
            pltpu.sync_copy(rows3, o3.at[pl.ds(row * _KS[2], _KS[2])])
            return carry2

        lax.fori_loop(0, _RB, do_row, jnp.int32(0))
        return carry

    lax.fori_loop(0, _RPW // _RB, do_batch, jnp.int32(0))


def _run_ballquery(dist2d, feat):
    mesh = plsc.VectorSubcoreMesh(core_axis_name="c", subcore_axis_name="s")
    kfn = pl.kernel(
        _sc_body,
        out_type=[
            jax.ShapeDtypeStruct((_B * _S * _KS[0], 16), _F32),
            jax.ShapeDtypeStruct((_B * _S * _KS[1], 16), _F32),
            jax.ShapeDtypeStruct((_B * _S * _KS[2], 16), _F32),
        ],
        mesh=mesh,
        scratch_types=[
            pltpu.VMEM((_RB, _N), _F32),
            pltpu.VMEM((_KS[0] + 16,), _I32),
            pltpu.VMEM((_KS[1] + 16,), _I32),
            pltpu.VMEM((_KS[2] + 16,), _I32),
            pltpu.VMEM((_KS[0],), _I32),
            pltpu.VMEM((_KS[1],), _I32),
            pltpu.VMEM((_KS[2],), _I32),
            pltpu.VMEM((_KS[0], 16), _F32),
            pltpu.VMEM((_KS[1], 16), _F32),
            pltpu.VMEM((_KS[2], 16), _F32),
            pltpu.SemaphoreType.DMA,
            pltpu.SemaphoreType.DMA,
            pltpu.SemaphoreType.DMA,
            pltpu.SemaphoreType.DMA,
        ],
        compiler_params=pltpu.CompilerParams(
            needs_layout_passes=False, use_tc_tiling_on_sc=False),
    )
    return kfn(dist2d, feat)



def _mlp_layer_body(x_ref, w_ref, b_ref, sc_ref, sh_ref, y_ref, st_ref,
                    *, first, gt, k, cin, cout, count):
    if first:
        c = sc_ref[...]
        x = jnp.reshape(x_ref[...] - c[:, None, :], (gt * k, cin))
    else:
        st = sc_ref[...]
        s1 = jnp.sum(st[:, 0, :], axis=0)
        s2 = jnp.sum(st[:, 1, :], axis=0)
        mean = s1 * (1.0 / count)
        var = s2 * (1.0 / count) - mean * mean
        scale = sh_ref[0, :] / jnp.sqrt(var + 1e-5)
        shift = sh_ref[1, :] - mean * scale
        x = jnp.reshape(x_ref[...], (gt * k, cin))
        x = jnp.maximum(x * scale[None, :] + shift[None, :], 0.0)
    w = w_ref[...]
    y = lax.dot_general(x, w, (((1,), (0,)), ((), ())),
                        preferred_element_type=_F32)
    y = y + b_ref[0:1, :]
    y_ref[...] = jnp.reshape(y, (gt, k, cout))
    s1 = jnp.sum(y, axis=0)
    s2 = jnp.sum(y * y, axis=0)
    st_ref[0] = jnp.concatenate(
        [s1[None, :], s2[None, :], jnp.zeros((6, cout), _F32)], axis=0)


def _run_mlp_layer(x, w, bias, scstat, gb, *, first, gt, k, cin, cout):
    g = (_B * _S) // gt
    count = float(_B * _S * k)
    body = functools.partial(_mlp_layer_body, first=first, gt=gt, k=k,
                             cin=cin, cout=cout, count=count)
    if first:
        sc_spec = pl.BlockSpec((gt, cin), lambda i: (i, 0))
    else:
        sc_spec = pl.BlockSpec((g, 8, cin), lambda i: (0, 0, 0))
    y, st = pl.pallas_call(
        body,
        grid=(g,),
        in_specs=[
            pl.BlockSpec((gt, k, cin), lambda i: (i, 0, 0)),
            pl.BlockSpec((cin, cout), lambda i: (0, 0)),
            pl.BlockSpec((8, cout), lambda i: (0, 0)),
            sc_spec,
            pl.BlockSpec((8, cin), lambda i: (0, 0)),
        ],
        out_specs=[
            pl.BlockSpec((gt, k, cout), lambda i: (i, 0, 0)),
            pl.BlockSpec((1, 8, cout), lambda i: (i, 0, 0)),
        ],
        out_shape=[
            jax.ShapeDtypeStruct((_B * _S, k, cout), _F32),
            jax.ShapeDtypeStruct((g, 8, cout), _F32),
        ],
    )(x, w, bias, scstat, gb)
    return y, st


def _mlp_final_body(x_ref, st_ref, gb_ref, o_ref, *, gt, k, c, count):
    st = st_ref[...]
    s1 = jnp.sum(st[:, 0, :], axis=0)
    s2 = jnp.sum(st[:, 1, :], axis=0)
    mean = s1 * (1.0 / count)
    var = s2 * (1.0 / count) - mean * mean
    scale = gb_ref[0, :] / jnp.sqrt(var + 1e-5)
    shift = gb_ref[1, :] - mean * scale
    x = x_ref[...]
    x = jnp.maximum(x * scale[None, None, :] + shift[None, None, :], 0.0)
    o_ref[...] = jnp.max(x, axis=1)


def _run_mlp_final(y, st, gb, *, gt, k, c):
    g = (_B * _S) // gt
    count = float(_B * _S * k)
    body = functools.partial(_mlp_final_body, gt=gt, k=k, c=c, count=count)
    return pl.pallas_call(
        body,
        grid=(g,),
        in_specs=[
            pl.BlockSpec((gt, k, c), lambda i: (i, 0, 0)),
            pl.BlockSpec((g, 8, c), lambda i: (0, 0, 0)),
            pl.BlockSpec((8, c), lambda i: (0, 0)),
        ],
        out_specs=pl.BlockSpec((gt, c), lambda i: (i, 0)),
        out_shape=jax.ShapeDtypeStruct((_B * _S, c), _F32),
    )(y, st, gb)



def kernel(xyz, points, params):
    ox, oy, oz = _run_fps(xyz)

    xyzp = jnp.concatenate(
        [xyz, jnp.zeros((_B, 5, _N), _F32)], axis=1)
    newc = jnp.concatenate(
        [jnp.stack([ox.T, oy.T, oz.T], axis=1),
         jnp.zeros((_B, 5, _S), _F32)], axis=1)

    dist = _run_dist(newc, xyzp)
    dist2d = jnp.reshape(dist, (_B * _S, _N))

    feat = jnp.concatenate(
        [jnp.transpose(points, (0, 2, 1)),
         jnp.transpose(xyz, (0, 2, 1)),
         jnp.zeros((_B, _N, 10), _F32)], axis=2)
    feat = jnp.reshape(feat, (_B * _N, 16))

    g1, g2, g3 = _run_ballquery(dist2d, feat)

    cext = jnp.concatenate(
        [jnp.zeros((_B * _S, 3), _F32),
         jnp.reshape(jnp.stack([ox.T, oy.T, oz.T], axis=2), (_B * _S, 3)),
         jnp.zeros((_B * _S, 10), _F32)], axis=1)

    gts = (64, 32, 16)
    outs = []
    for gi, (grp, K, br) in enumerate(((g1, _KS[0], params[0]),
                                       (g2, _KS[1], params[1]),
                                       (g3, _KS[2], params[2]))):
        gt = gts[gi]
        g = (_B * _S) // gt
        x = jnp.reshape(grp, (_B * _S, K, 16))
        cin = 16
        scstat, gb = cext, jnp.zeros((8, 16), _F32)
        for li, layer in enumerate(br):
            cout = layer['W'].shape[0]
            wp = jnp.zeros((cin, cout), _F32)
            wp = wp.at[:layer['W'].shape[1], :].set(layer['W'].T)
            bias = jnp.broadcast_to(layer['b'][None, :], (8, cout))
            y, st = _run_mlp_layer(x, wp, bias, scstat, gb,
                                   first=(li == 0), gt=gt, k=K,
                                   cin=cin, cout=cout)
            gb = jnp.concatenate(
                [layer['gamma'][None, :], layer['beta'][None, :],
                 jnp.zeros((6, cout), _F32)], axis=0)
            scstat = st
            x, cin = y, cout
        o = _run_mlp_final(x, scstat, gb, gt=gt, k=K, c=cin)
        outs.append(jnp.transpose(jnp.reshape(o, (_B, _S, cin)), (0, 2, 1)))

    new_xyz_out = jnp.stack([ox.T, oy.T, oz.T], axis=1)
    return (new_xyz_out, jnp.concatenate(outs, axis=1))

# --- scband reference (transcript-rebuilt; emitter-appended) ---
"""Pipeline reference for scband-point-net-set-abstraction-msg-3143916061238 (READ-ONLY COPY).

The authoritative reference and input builder live on the scoring server;
editing this copy changes nothing except your own understanding.
"""

import jax, jax.numpy as jnp
import numpy as np

NPOINT = 512
RADIUS_LIST = [0.1, 0.2, 0.4]
NSAMPLE_LIST = [16, 32, 128]
IN_CHANNEL = 3
MLP_LIST = [[32, 32, 64], [64, 64, 128], [64, 96, 128]]
B, N = 8, 4096


def setup_inputs(seed: int = 0):
    key = jax.random.key(seed)
    k0, k1, pk = jax.random.split(key, 3)
    xyz = jax.random.uniform(k0, (B, 3, N), dtype=jnp.float32)
    points = jax.random.normal(k1, (B, IN_CHANNEL, N), dtype=jnp.float32)
    params = []
    for mlp in MLP_LIST:
        last = IN_CHANNEL + 3
        branch = []
        for out_ch in mlp:
            pk, kw = jax.random.split(pk)
            W = jax.random.normal(kw, (out_ch, last), dtype=jnp.float32) / np.sqrt(last)
            branch.append({
                'W': W,
                'b': jnp.zeros((out_ch,), jnp.float32),
                'gamma': jnp.ones((out_ch,), jnp.float32),
                'beta': jnp.zeros((out_ch,), jnp.float32),
            })
            last = out_ch
        params.append(branch)
    return {'xyz': xyz, 'points': points, 'params': params}


def square_distance(src, dst):
    # src: [B,S,3], dst: [B,N,3] -> [B,S,N]
    d = -2.0 * jnp.einsum('bsc,bnc->bsn', src, dst)
    d = d + jnp.sum(src ** 2, axis=-1)[:, :, None]
    d = d + jnp.sum(dst ** 2, axis=-1)[:, None, :]
    return d


def farthest_point_sample(xyz, npoint):
    # xyz: [B,N,3] -> idx [B,npoint]
    _, n, _ = xyz.shape

    def one(pts):
        def body(i, state):
            dists, idxs, last_idx = state
            last = pts[last_idx]
            d = jnp.sum((pts - last[None, :]) ** 2, axis=-1)
            dists = jnp.minimum(dists, d)
            nxt = jnp.argmax(dists).astype(jnp.int32)
            idxs = idxs.at[i].set(nxt)
            return (dists, idxs, nxt)

        dists0 = jnp.full((n,), 1e10, dtype=jnp.float32)
        idxs0 = jnp.zeros((npoint,), dtype=jnp.int32)
        _, idxs, _ = jax.lax.fori_loop(1, npoint, body, (dists0, idxs0, jnp.int32(0)))
        return idxs

    return jax.vmap(one)(xyz)


def index_points(points, idx):
    # points: [B,N,C], idx: [B,...] -> [B,...,C]
    return jax.vmap(lambda p, i: p[i])(points, idx)


def query_ball_point(radius, nsample, xyz, new_xyz):
    b, n, _ = xyz.shape
    s = new_xyz.shape[1]
    sqrdists = square_distance(new_xyz, xyz)
    group_idx = jnp.broadcast_to(jnp.arange(n, dtype=jnp.int32), (b, s, n))
    group_idx = jnp.where(sqrdists > radius ** 2, jnp.int32(n), group_idx)
    group_idx = jnp.sort(group_idx, axis=-1)[:, :, :nsample]
    group_first = group_idx[:, :, 0:1]
    group_idx = jnp.where(group_idx == n, jnp.broadcast_to(group_first, group_idx.shape), group_idx)
    return group_idx


def _forward(xyz, points, params):
    xyz_t = jnp.transpose(xyz, (0, 2, 1))      # [B,N,3]
    pts_t = jnp.transpose(points, (0, 2, 1))   # [B,N,D]
    S = NPOINT
    fps_idx = farthest_point_sample(jax.lax.stop_gradient(xyz_t), S)
    new_xyz = index_points(xyz_t, fps_idx)     # [B,S,3]
    new_points_list = []
    for i, radius in enumerate(RADIUS_LIST):
        K = NSAMPLE_LIST[i]
        group_idx = query_ball_point(radius, K, jax.lax.stop_gradient(xyz_t), jax.lax.stop_gradient(new_xyz))
        grouped_xyz = index_points(xyz_t, group_idx)          # [B,S,K,3]
        grouped_xyz = grouped_xyz - new_xyz[:, :, None, :]
        grouped_points = index_points(pts_t, group_idx)       # [B,S,K,D]
        grouped_points = jnp.concatenate([grouped_points, grouped_xyz], axis=-1)
        g = jnp.transpose(grouped_points, (0, 3, 2, 1))       # [B,C_in,K,S]
        for layer in params[i]:
            g = jnp.einsum('oc,bcks->boks', layer['W'], g) + layer['b'][None, :, None, None]
            mean = jnp.mean(g, axis=(0, 2, 3), keepdims=True)
            var = jnp.var(g, axis=(0, 2, 3), keepdims=True)
            g = (g - mean) / jnp.sqrt(var + 1e-5)
            g = g * layer['gamma'][None, :, None, None] + layer['beta'][None, :, None, None]
            g = jax.nn.relu(g)
        new_points = jnp.max(g, axis=2)                       # [B,C_out,S]
        new_points_list.append(new_points)
    new_xyz_out = jnp.transpose(new_xyz, (0, 2, 1))
    new_points_concat = jnp.concatenate(new_points_list, axis=1)
    return (new_xyz_out, new_points_concat)


def reference(xyz, points, params):
    return _forward(xyz, points, params)

if __name__ == "__main__":
    import jax
    _d = setup_inputs()
    print(jax.jit(kernel)(*tuple(_d.values())))

</pallas_src>

<mosaic_0001>
#map = affine_map<(d0, d1) -> (0, 0)>
module attributes {stable_mosaic.version = 14 : i64} {
  func.func @_sc_body(%arg0: i32, %arg1: i32, %arg2: memref<4096x4096xf32, #tpu.memory_space<hbm>>, %arg3: memref<32768x16xf32, #tpu.memory_space<hbm>>, %arg4: memref<65536x16xf32, #tpu.memory_space<hbm>>, %arg5: memref<131072x16xf32, #tpu.memory_space<hbm>>, %arg6: memref<524288x16xf32, #tpu.memory_space<hbm>>, %arg7: memref<8x4096xf32, #tpu.memory_space<vmem>>, %arg8: memref<32xi32, #tpu.memory_space<vmem>>, %arg9: memref<48xi32, #tpu.memory_space<vmem>>, %arg10: memref<144xi32, #tpu.memory_space<vmem>>, %arg11: memref<16xi32, #tpu.memory_space<vmem>>, %arg12: memref<32xi32, #tpu.memory_space<vmem>>, %arg13: memref<128xi32, #tpu.memory_space<vmem>>, %arg14: memref<16x16xf32, #tpu.memory_space<vmem>>, %arg15: memref<32x16xf32, #tpu.memory_space<vmem>>, %arg16: memref<128x16xf32, #tpu.memory_space<vmem>>, %arg17: memref<!tpu.dma_semaphore, #tpu.memory_space<semaphore_mem>>, %arg18: memref<!tpu.dma_semaphore, #tpu.memory_space<semaphore_mem>>, %arg19: memref<!tpu.dma_semaphore, #tpu.memory_space<semaphore_mem>>, %arg20: memref<!tpu.dma_semaphore, #tpu.memory_space<semaphore_mem>>) attributes {dimension_semantics = [#tpu.dimension_semantics<core_parallel>, #tpu.dimension_semantics<subcore_parallel>], iteration_bounds = array<i64: 2, 16>, scalar_prefetch = 0 : i64, scratch_operands = 14 : i64, tpu.core_type = #tpu.core_type<sc_vector_subcore>, window_params = [{transform_indices = #map}, {transform_indices = #map}, {transform_indices = #map}, {transform_indices = #map}, {transform_indices = #map}]} {
    %mul3A = arith.constant 2 : i32
    %mul3A_0 = arith.muli %arg1, %mul3A : i32
    %add3A = arith.addi %mul3A_0, %arg0 : i32
    %iota3A = tpu.iota {dimensions = array<i32: 0>} : vector<16xi32>
    %scan3A = arith.constant 0 : i32
    %scan3A_1 = arith.constant 0.00999999977 : f32
    %scan3A_2 = arith.constant 4.000000e-02 : f32
    %scan3A_3 = arith.constant 1.600000e-01 : f32
    %scan3A_4 = arith.constant 0 : i32
    %scan3A_5 = arith.constant 16 : i32
    %scan3A_6 = arith.addi %scan3A_4, %scan3A_5 : i32
    %scan3A_7 = arith.constant 1 : i32
    scf.for %scan3A_9 = %scan3A_4 to %scan3A_6 step %scan3A_7  : i32 {
      %mul3A_10 = arith.constant 128 : i32
      %mul3A_11 = arith.muli %add3A, %mul3A_10 : i32
      %mul3A_12 = arith.constant 8 : i32
      %mul3A_13 = arith.muli %scan3A_9, %mul3A_12 : i32
      %add3A_14 = arith.addi %mul3A_11, %mul3A_13 : i32
      "tpu.region"() ({
        %run_scoped3A = tpu.sem_alloc : memref<!tpu.dma_semaphore, #tpu.memory_space<semaphore_mem>>
        %dma_start3A = arith.constant 0 : i32
        %dma_start3A_21 = tpu.memref_slice %arg2[%add3A_14, %dma_start3A] : memref<4096x4096xf32, #tpu.memory_space<hbm>> -> memref<8x4096xf32, #tpu.memory_space<hbm>>
        %dma_start3A_22 = arith.constant 0 : i32
        %dma_start3A_23 = tpu.memref_slice %arg2[%add3A_14, %dma_start3A_22] : memref<4096x4096xf32, #tpu.memory_space<hbm>> -> memref<8x4096xf32, #tpu.memory_space<hbm>>
        tpu.enqueue_dma source(%dma_start3A_23 : memref<8x4096xf32, #tpu.memory_space<hbm>>) target(%arg7 : memref<8x4096xf32, #tpu.memory_space<vmem>>) target_semaphore(%run_scoped3A : memref<!tpu.dma_semaphore, #tpu.memory_space<semaphore_mem>>)
        %dma_wait3A = arith.constant 0 : i32
        %dma_wait3A_24 = tpu.memref_slice %arg2[%add3A_14, %dma_wait3A] : memref<4096x4096xf32, #tpu.memory_space<hbm>> -> memref<8x4096xf32, #tpu.memory_space<hbm>>
        %dma_wait3A_25 = arith.constant 0 : i32
        %dma_wait3A_26 = tpu.memref_slice %arg2[%add3A_14, %dma_wait3A_25] : memref<4096x4096xf32, #tpu.memory_space<hbm>> -> memref<8x4096xf32, #tpu.memory_space<hbm>>
        tpu.wait_dma2 semaphore(%run_scoped3A : memref<!tpu.dma_semaphore, #tpu.memory_space<semaphore_mem>>) src(%dma_wait3A_26 : memref<8x4096xf32, #tpu.memory_space<hbm>>) dst(%arg7 : memref<8x4096xf32, #tpu.memory_space<vmem>>)
        tpu.yield
      }) : () -> ()
      %scan3A_15 = arith.constant 0 : i32
      %scan3A_16 = arith.constant 0 : i32
      %scan3A_17 = arith.constant 8 : i32
      %scan3A_18 = arith.addi %scan3A_16, %scan3A_17 : i32
      %scan3A_19 = arith.constant 1 : i32
      scf.for %scan3A_21 = %scan3A_16 to %scan3A_18 step %scan3A_19  : i32 {
        %add3A_22 = arith.addi %add3A_14, %scan3A_21 : i32
        %jit3A = arith.constant 512 : i32
        %div3A = arith.divsi %add3A_22, %jit3A : i32
        %sign3A = arith.constant 0 : i32
        %sign3A_23 = arith.cmpi sgt, %add3A_22, %sign3A : i32
        %sign3A_24 = arith.extui %sign3A_23 : i1 to i32
        %sign3A_25 = arith.constant 0 : i32
        %sign3A_26 = arith.cmpi slt, %add3A_22, %sign3A_25 : i32
        %sign3A_27 = arith.extui %sign3A_26 : i1 to i32
        %sign3A_28 = arith.subi %sign3A_24, %sign3A_27 : i32
        %sign3A_29 = arith.constant 0 : i32
        %sign3A_30 = arith.cmpi sgt, %jit3A, %sign3A_29 : i32
        %sign3A_31 = arith.extui %sign3A_30 : i1 to i32
        %sign3A_32 = arith.constant 0 : i32
        %sign3A_33 = arith.cmpi slt, %jit3A, %sign3A_32 : i32
        %sign3A_34 = arith.extui %sign3A_33 : i1 to i32
        %sign3A_35 = arith.subi %sign3A_31, %sign3A_34 : i32
        %ne3A = arith.cmpi ne, %sign3A_28, %sign3A_35 : i32
        %rem3A = arith.remsi %add3A_22, %jit3A : i32
        %ne3A_36 = arith.constant 0 : i32
        %ne3A_37 = arith.cmpi ne, %rem3A, %ne3A_36 : i32
        %and3A = arith.andi %ne3A, %ne3A_37 : i1
        %sub3A = arith.constant 1 : i32
        %sub3A_38 = arith.subi %div3A, %sub3A : i32
        %select_n3A = arith.select %and3A, %sub3A_38, %div3A : i32
        %mul3A_39 = arith.constant 4096 : i32
        %mul3A_40 = arith.muli %select_n3A, %mul3A_39 : i32
        %while3A = arith.constant 0 : i32
        %while3A_41 = arith.constant 0 : i32
        %while3A_42 = arith.constant 0 : i32
        %while3A_43 = arith.constant 0 : i32
        %while3A_44:4 = scf.while (%while3A_187 = %while3A, %while3A_188 = %while3A_41, %while3A_189 = %while3A_42, %while3A_190 = %while3A_43) : (i32, i32, i32, i32) -> (i32, i32, i32, i32) {
          %lt3A_191 = arith.constant 256 : i32
          %lt3A_192 = arith.cmpi slt, %while3A_187, %lt3A_191 : i32
          %lt3A_193 = arith.constant 32 : i32
          %lt3A_194 = arith.cmpi slt, %while3A_189, %lt3A_193 : i32
          %lt3A_195 = arith.constant 128 : i32
          %lt3A_196 = arith.cmpi slt, %while3A_190, %lt3A_195 : i32
          %or3A = arith.ori %lt3A_194, %lt3A_196 : i1
          %and3A_197 = arith.andi %lt3A_192, %or3A : i1
          scf.condition(%and3A_197) %while3A_187, %while3A_188, %while3A_189, %while3A_190 : i32, i32, i32, i32
        } do {
        ^bb0(%while3A_187: i32, %while3A_188: i32, %while3A_189: i32, %while3A_190: i32):
          %mul3A_191 = arith.constant 16 : i32
          %mul3A_192 = arith.muli %while3A_187, %mul3A_191 : i32
          %get3A_193 = arith.constant 0 : i32
          %get3A_194 = tpu.memref_slice %arg7[%scan3A_21, %get3A_193] : memref<8x4096xf32, #tpu.memory_space<vmem>> -> memref<1x4096xf32, #tpu.memory_space<vmem>>
          %get3A_195 = tpu.memref_squeeze %get3A_194 : memref<1x4096xf32, #tpu.memory_space<vmem>> -> memref<4096xf32, #tpu.memory_space<vmem>>
          %get3A_196 = arith.index_cast %mul3A_192 : i32 to index
          %get3A_197 = tpu.vector_load %get3A_195[%get3A_196] {strides = array<i32>} : memref<4096xf32, #tpu.memory_space<vmem>>, vector<16xf32>,
          %mul3A_198 = arith.constant 16 : i32
          %mul3A_199 = arith.muli %while3A_187, %mul3A_198 : i32
          %add3A_200 = arith.addi %mul3A_199, %mul3A_40 : i32
          %add3A_201 = vector.broadcast %add3A_200 : i32 to vector<16xi32>
          %add3A_202 = arith.addi %iota3A, %add3A_201 : vector<16xi32>
          %le3A = vector.broadcast %scan3A_1 : f32 to vector<16xf32>
          %le3A_203 = arith.cmpf ole, %get3A_197, %le3A : vector<16xf32>
          %le3A_204 = vector.broadcast %scan3A_2 : f32 to vector<16xf32>
          %le3A_205 = arith.cmpf ole, %get3A_197, %le3A_204 : vector<16xf32>
          %le3A_206 = vector.broadcast %scan3A_3 : f32 to vector<16xf32>
          %le3A_207 = arith.cmpf ole, %get3A_197, %le3A_206 : vector<16xf32>
          %swap3A_208 = arith.index_cast %while3A_188 : i32 to index
          %swap3A_209 = tpu.vector_load %arg8[%swap3A_208] masked %le3A_203 {strides = array<i32>} : memref<32xi32, #tpu.memory_space<vmem>>, vector<16xi32>, vector<16xi1>
          tpu.vector_store %arg8[%swap3A_208], %add3A_202 masked %le3A_203 {strides = array<i32>} : memref<32xi32, #tpu.memory_space<vmem>>, vector<16xi32>, vector<16xi1>
          %swap3A_210 = arith.index_cast %while3A_189 : i32 to index
          %swap3A_211 = tpu.vector_load %arg9[%swap3A_210] masked %le3A_205 {strides = array<i32>} : memref<48xi32, #tpu.memory_space<vmem>>, vector<16xi32>, vector<16xi1>
          tpu.vector_store %arg9[%swap3A_210], %add3A_202 masked %le3A_205 {strides = array<i32>} : memref<48xi32, #tpu.memory_space<vmem>>, vector<16xi32>, vector<16xi1>
          %swap3A_212 = arith.index_cast %while3A_190 : i32 to index
          %swap3A_213 = tpu.vector_load %arg10[%swap3A_212] masked %le3A_207 {strides = array<i32>} : memref<144xi32, #tpu.memory_space<vmem>>, vector<16xi32>, vector<16xi1>
          tpu.vector_store %arg10[%swap3A_212], %add3A_202 masked %le3A_207 {strides = array<i32>} : memref<144xi32, #tpu.memory_space<vmem>>, vector<16xi32>, vector<16xi1>
          %convert_element_type3A = arith.extui %le3A_203 : vector<16xi1> to vector<16xi32>
          %reduce_sum3A = arith.constant true
          %reduce_sum3A_214 = vector.broadcast %reduce_sum3A : i1 to vector<16xi1>
          %reduce_sum3A_215 = tpu.scan <sum>, %convert_element_type3A masked %reduce_sum3A_214 : vector<16xi32>, vector<16xi1> -> vector<16xi32>
          %reduce_sum3A_216 = vector.extract %reduce_sum3A_215[15] : i32 from vector<16xi32>
          %add3A_217 = arith.addi %while3A_188, %reduce_sum3A_216 : i32
          %min3A = arith.constant 16 : i32
          %min3A_218 = arith.minsi %add3A_217, %min3A : i32
          %convert_element_type3A_219 = arith.extui %le3A_205 : vector<16xi1> to vector<16xi32>
          %reduce_sum3A_220 = arith.constant true
          %reduce_sum3A_221 = vector.broadcast %reduce_sum3A_220 : i1 to vector<16xi1>
          %reduce_sum3A_222 = tpu.scan <sum>, %convert_element_type3A_219 masked %reduce_sum3A_221 : vector<16xi32>, vector<16xi1> -> vector<16xi32>
          %reduce_sum3A_223 = vector.extract %reduce_sum3A_222[15] : i32 from vector<16xi32>
          %add3A_224 = arith.addi %while3A_189, %reduce_sum3A_223 : i32
          %min3A_225 = arith.constant 32 : i32
          %min3A_226 = arith.minsi %add3A_224, %min3A_225 : i32
          %convert_element_type3A_227 = arith.extui %le3A_207 : vector<16xi1> to vector<16xi32>
          %reduce_sum3A_228 = arith.constant true
          %reduce_sum3A_229 = vector.broadcast %reduce_sum3A_228 : i1 to vector<16xi1>
          %reduce_sum3A_230 = tpu.scan <sum>, %convert_element_type3A_227 masked %reduce_sum3A_229 : vector<16xi32>, vector<16xi1> -> vector<16xi32>
          %reduce_sum3A_231 = vector.extract %reduce_sum3A_230[15] : i32 from vector<16xi32>
          %add3A_232 = arith.addi %while3A_190, %reduce_sum3A_231 : i32
          %min3A_233 = arith.constant 128 : i32
          %min3A_234 = arith.minsi %add3A_232, %min3A_233 : i32
          %add3A_235 = arith.constant 1 : i32
          %add3A_236 = arith.addi %while3A_187, %add3A_235 : i32
          scf.yield %add3A_236, %min3A_218, %min3A_226, %min3A_234 : i32, i32, i32, i32
        }
        %while3A_45:2 = scf.while (%while3A_187 = %while3A_44#0, %while3A_188 = %while3A_44#1) : (i32, i32) -> (i32, i32) {
          %lt3A_189 = arith.constant 256 : i32
          %lt3A_190 = arith.cmpi slt, %while3A_187, %lt3A_189 : i32
          %lt3A_191 = arith.constant 16 : i32
          %lt3A_192 = arith.cmpi slt, %while3A_188, %lt3A_191 : i32
          %and3A_193 = arith.andi %lt3A_190, %lt3A_192 : i1
          scf.condition(%and3A_193) %while3A_187, %while3A_188 : i32, i32
        } do {
        ^bb0(%while3A_187: i32, %while3A_188: i32):
          %mul3A_189 = arith.constant 16 : i32
          %mul3A_190 = arith.muli %while3A_187, %mul3A_189 : i32
          %get3A_191 = arith.constant 0 : i32
          %get3A_192 = tpu.memref_slice %arg7[%scan3A_21, %get3A_191] : memref<8x4096xf32, #tpu.memory_space<vmem>> -> memref<1x4096xf32, #tpu.memory_space<vmem>>
          %get3A_193 = tpu.memref_squeeze %get3A_192 : memref<1x4096xf32, #tpu.memory_space<vmem>> -> memref<4096xf32, #tpu.memory_space<vmem>>
          %get3A_194 = arith.index_cast %mul3A_190 : i32 to index
          %get3A_195 = tpu.vector_load %get3A_193[%get3A_194] {strides = array<i32>} : memref<4096xf32, #tpu.memory_space<vmem>>, vector<16xf32>,
          %le3A = vector.broadcast %scan3A_1 : f32 to vector<16xf32>
          %le3A_196 = arith.cmpf ole, %get3A_195, %le3A : vector<16xf32>
          %mul3A_197 = arith.constant 16 : i32
          %mul3A_198 = arith.muli %while3A_187, %mul3A_197 : i32
          %add3A_199 = arith.addi %mul3A_198, %mul3A_40 : i32
          %add3A_200 = vector.broadcast %add3A_199 : i32 to vector<16xi32>
          %add3A_201 = arith.addi %iota3A, %add3A_200 : vector<16xi32>
          %swap3A_202 = arith.index_cast %while3A_188 : i32 to index
          %swap3A_203 = tpu.vector_load %arg8[%swap3A_202] masked %le3A_196 {strides = array<i32>} : memref<32xi32, #tpu.memory_space<vmem>>, vector<16xi32>, vector<16xi1>
          tpu.vector_store %arg8[%swap3A_202], %add3A_201 masked %le3A_196 {strides = array<i32>} : memref<32xi32, #tpu.memory_space<vmem>>, vector<16xi32>, vector<16xi1>
          %add3A_204 = arith.constant 1 : i32
          %add3A_205 = arith.addi %while3A_187, %add3A_204 : i32
          %convert_element_type3A = arith.extui %le3A_196 : vector<16xi1> to vector<16xi32>
          %reduce_sum3A = arith.constant true
          %reduce_sum3A_206 = vector.broadcast %reduce_sum3A : i1 to vector<16xi1>
          %reduce_sum3A_207 = tpu.scan <sum>, %convert_element_type3A masked %reduce_sum3A_206 : vector<16xi32>, vector<16xi1> -> vector<16xi32>
          %reduce_sum3A_208 = vector.extract %reduce_sum3A_207[15] : i32 from vector<16xi32>
          %add3A_209 = arith.addi %while3A_188, %reduce_sum3A_208 : i32
          %min3A = arith.constant 16 : i32
          %min3A_210 = arith.minsi %add3A_209, %min3A : i32
          scf.yield %add3A_205, %min3A_210 : i32, i32
        }
        %get3A = arith.constant 0 : index
        %get3A_46 = tpu.vector_load %arg8[%get3A] {strides = array<i32>} : memref<32xi32, #tpu.memory_space<vmem>>, vector<16xi32>,
        %slice3A = vector.extract_strided_slice %get3A_46 {offsets = [0], sizes = [1], strides = [1]} : vector<16xi32> to vector<1xi32>
        %squeeze3A = vector.extract %slice3A[0] : i32 from vector<1xi32>
        %broadcast_in_dim3A = vector.broadcast %squeeze3A : i32 to vector<16xi32>
        %get3A_47 = arith.constant 0 : index
        %get3A_48 = tpu.vector_load %arg8[%get3A_47] {strides = array<i32>} : memref<32xi32, #tpu.memory_space<vmem>>, vector<16xi32>,
        %add3A_49 = arith.constant 0 : i32
        %add3A_50 = vector.broadcast %add3A_49 : i32 to vector<16xi32>
        %add3A_51 = arith.addi %iota3A, %add3A_50 : vector<16xi32>
        %lt3A = vector.broadcast %while3A_45#1 : i32 to vector<16xi32>
        %lt3A_52 = arith.cmpi slt, %add3A_51, %lt3A : vector<16xi32>
        %select_n3A_53 = arith.select %lt3A_52, %get3A_48, %broadcast_in_dim3A : vector<16xi1>, vector<16xi32>
        %swap3A = arith.constant 0 : index
        %swap3A_54 = tpu.vector_load %arg11[%swap3A] {strides = array<i32>} : memref<16xi32, #tpu.memory_space<vmem>>, vector<16xi32>,
        tpu.vector_store %arg11[%swap3A], %select_n3A_53 {strides = array<i32>} : memref<16xi32, #tpu.memory_space<vmem>>, vector<16xi32>,
        %get3A_55 = arith.constant 0 : index
        %get3A_56 = tpu.vector_load %arg9[%get3A_55] {strides = array<i32>} : memref<48xi32, #tpu.memory_space<vmem>>, vector<16xi32>,
        %slice3A_57 = vector.extract_strided_slice %get3A_56 {offsets = [0], sizes = [1], strides = [1]} : vector<16xi32> to vector<1xi32>
        %squeeze3A_58 = vector.extract %slice3A_57[0] : i32 from vector<1xi32>
        %broadcast_in_dim3A_59 = vector.broadcast %squeeze3A_58 : i32 to vector<16xi32>
        %get3A_60 = arith.constant 0 : index
        %get3A_61 = tpu.vector_load %arg9[%get3A_60] {strides = array<i32>} : memref<48xi32, #tpu.memory_space<vmem>>, vector<16xi32>,
        %add3A_62 = arith.constant 0 : i32
        %add3A_63 = vector.broadcast %add3A_62 : i32 to vector<16xi32>
        %add3A_64 = arith.addi %iota3A, %add3A_63 : vector<16xi32>
        %lt3A_65 = vector.broadcast %while3A_44#2 : i32 to vector<16xi32>
        %lt3A_66 = arith.cmpi slt, %add3A_64, %lt3A_65 : vector<16xi32>
        %select_n3A_67 = arith.select %lt3A_66, %get3A_61, %broadcast_in_dim3A_59 : vector<16xi1>, vector<16xi32>
        %swap3A_68 = arith.constant 0 : index
        %swap3A_69 = tpu.vector_load %arg12[%swap3A_68] {strides = array<i32>} : memref<32xi32, #tpu.memory_space<vmem>>, vector<16xi32>,
        tpu.vector_store %arg12[%swap3A_68], %select_n3A_67 {strides = array<i32>} : memref<32xi32, #tpu.memory_space<vmem>>, vector<16xi32>,
        %get3A_70 = arith.constant 16 : index
        %get3A_71 = tpu.vector_load %arg9[%get3A_70] {strides = array<i32>} : memref<48xi32, #tpu.memory_space<vmem>>, vector<16xi32>,
        %add3A_72 = arith.constant 16 : i32
        %add3A_73 = vector.broadcast %add3A_72 : i32 to vector<16xi32>
        %add3A_74 = arith.addi %iota3A, %add3A_73 : vector<16xi32>
        %lt3A_75 = vector.broadcast %while3A_44#2 : i32 to vector<16xi32>
        %lt3A_76 = arith.cmpi slt, %add3A_74, %lt3A_75 : vector<16xi32>
        %select_n3A_77 = arith.select %lt3A_76, %get3A_71, %broadcast_in_dim3A_59 : vector<16xi1>, vector<16xi32>
        %swap3A_78 = arith.constant 16 : index
        %swap3A_79 = tpu.vector_load %arg12[%swap3A_78] {strides = array<i32>} : memref<32xi32, #tpu.memory_space<vmem>>, vector<16xi32>,
        tpu.vector_store %arg12[%swap3A_78], %select_n3A_77 {strides = array<i32>} : memref<32xi32, #tpu.memory_space<vmem>>, vector<16xi32>,
        %get3A_80 = arith.constant 0 : index
        %get3A_81 = tpu.vector_load %arg10[%get3A_80] {strides = array<i32>} : memref<144xi32, #tpu.memory_space<vmem>>, vector<16xi32>,
        %slice3A_82 = vector.extract_strided_slice %get3A_81 {offsets = [0], sizes = [1], strides = [1]} : vector<16xi32> to vector<1xi32>
        %squeeze3A_83 = vector.extract %slice3A_82[0] : i32 from vector<1xi32>
        %broadcast_in_dim3A_84 = vector.broadcast %squeeze3A_83 : i32 to vector<16xi32>
        %get3A_85 = arith.constant 0 : index
        %get3A_86 = tpu.vector_load %arg10[%get3A_85] {strides = array<i32>} : memref<144xi32, #tpu.memory_space<vmem>>, vector<16xi32>,
        %add3A_87 = arith.constant 0 : i32
        %add3A_88 = vector.broadcast %add3A_87 : i32 to vector<16xi32>
        %add3A_89 = arith.addi %iota3A, %add3A_88 : vector<16xi32>
        %lt3A_90 = vector.broadcast %while3A_44#3 : i32 to vector<16xi32>
        %lt3A_91 = arith.cmpi slt, %add3A_89, %lt3A_90 : vector<16xi32>
        %select_n3A_92 = arith.select %lt3A_91, %get3A_86, %broadcast_in_dim3A_84 : vector<16xi1>, vector<16xi32>
        %swap3A_93 = arith.constant 0 : index
        %swap3A_94 = tpu.vector_load %arg13[%swap3A_93] {strides = array<i32>} : memref<128xi32, #tpu.memory_space<vmem>>, vector<16xi32>,
        tpu.vector_store %arg13[%swap3A_93], %select_n3A_92 {strides = array<i32>} : memref<128xi32, #tpu.memory_space<vmem>>, vector<16xi32>,
        %get3A_95 = arith.constant 16 : index
        %get3A_96 = tpu.vector_load %arg10[%get3A_95] {strides = array<i32>} : memref<144xi32, #tpu.memory_space<vmem>>, vector<16xi32>,
        %add3A_97 = arith.constant 16 : i32
        %add3A_98 = vector.broadcast %add3A_97 : i32 to vector<16xi32>
        %add3A_99 = arith.addi %iota3A, %add3A_98 : vector<16xi32>
        %lt3A_100 = vector.broadcast %while3A_44#3 : i32 to vector<16xi32>
        %lt3A_101 = arith.cmpi slt, %add3A_99, %lt3A_100 : vector<16xi32>
        %select_n3A_102 = arith.select %lt3A_101, %get3A_96, %broadcast_in_dim3A_84 : vector<16xi1>, vector<16xi32>
        %swap3A_103 = arith.constant 16 : index
        %swap3A_104 = tpu.vector_load %arg13[%swap3A_103] {strides = array<i32>} : memref<128xi32, #tpu.memory_space<vmem>>, vector<16xi32>,
        tpu.vector_store %arg13[%swap3A_103], %select_n3A_102 {strides = array<i32>} : memref<128xi32, #tpu.memory_space<vmem>>, vector<16xi32>,
        %get3A_105 = arith.constant 32 : index
        %get3A_106 = tpu.vector_load %arg10[%get3A_105] {strides = array<i32>} : memref<144xi32, #tpu.memory_space<vmem>>, vector<16xi32>,
        %add3A_107 = arith.constant 32 : i32
        %add3A_108 = vector.broadcast %add3A_107 : i32 to vector<16xi32>
        %add3A_109 = arith.addi %iota3A, %add3A_108 : vector<16xi32>
        %lt3A_110 = vector.broadcast %while3A_44#3 : i32 to vector<16xi32>
        %lt3A_111 = arith.cmpi slt, %add3A_109, %lt3A_110 : vector<16xi32>
        %select_n3A_112 = arith.select %lt3A_111, %get3A_106, %broadcast_in_dim3A_84 : vector<16xi1>, vector<16xi32>
        %swap3A_113 = arith.constant 32 : index
        %swap3A_114 = tpu.vector_load %arg13[%swap3A_113] {strides = array<i32>} : memref<128xi32, #tpu.memory_space<vmem>>, vector<16xi32>,
        tpu.vector_store %arg13[%swap3A_113], %select_n3A_112 {strides = array<i32>} : memref<128xi32, #tpu.memory_space<vmem>>, vector<16xi32>,
        %get3A_115 = arith.constant 48 : index
        %get3A_116 = tpu.vector_load %arg10[%get3A_115] {strides = array<i32>} : memref<144xi32, #tpu.memory_space<vmem>>, vector<16xi32>,
        %add3A_117 = arith.constant 48 : i32
        %add3A_118 = vector.broadcast %add3A_117 : i32 to vector<16xi32>
        %add3A_119 = arith.addi %iota3A, %add3A_118 : vector<16xi32>
        %lt3A_120 = vector.broadcast %while3A_44#3 : i32 to vector<16xi32>
        %lt3A_121 = arith.cmpi slt, %add3A_119, %lt3A_120 : vector<16xi32>
        %select_n3A_122 = arith.select %lt3A_121, %get3A_116, %broadcast_in_dim3A_84 : vector<16xi1>, vector<16xi32>
        %swap3A_123 = arith.constant 48 : index
        %swap3A_124 = tpu.vector_load %arg13[%swap3A_123] {strides = array<i32>} : memref<128xi32, #tpu.memory_space<vmem>>, vector<16xi32>,
        tpu.vector_store %arg13[%swap3A_123], %select_n3A_122 {strides = array<i32>} : memref<128xi32, #tpu.memory_space<vmem>>, vector<16xi32>,
        %get3A_125 = arith.constant 64 : index
        %get3A_126 = tpu.vector_load %arg10[%get3A_125] {strides = array<i32>} : memref<144xi32, #tpu.memory_space<vmem>>, vector<16xi32>,
        %add3A_127 = arith.constant 64 : i32
        %add3A_128 = vector.broadcast %add3A_127 : i32 to vector<16xi32>
        %add3A_129 = arith.addi %iota3A, %add3A_128 : vector<16xi32>
        %lt3A_130 = vector.broadcast %while3A_44#3 : i32 to vector<16xi32>
        %lt3A_131 = arith.cmpi slt, %add3A_129, %lt3A_130 : vector<16xi32>
        %select_n3A_132 = arith.select %lt3A_131, %get3A_126, %broadcast_in_dim3A_84 : vector<16xi1>, vector<16xi32>
        %swap3A_133 = arith.constant 64 : index
        %swap3A_134 = tpu.vector_load %arg13[%swap3A_133] {strides = array<i32>} : memref<128xi32, #tpu.memory_space<vmem>>, vector<16xi32>,
        tpu.vector_store %arg13[%swap3A_133], %select_n3A_132 {strides = array<i32>} : memref<128xi32, #tpu.memory_space<vmem>>, vector<16xi32>,
        %get3A_135 = arith.constant 80 : index
        %get3A_136 = tpu.vector_load %arg10[%get3A_135] {strides = array<i32>} : memref<144xi32, #tpu.memory_space<vmem>>, vector<16xi32>,
        %add3A_137 = arith.constant 80 : i32
        %add3A_138 = vector.broadcast %add3A_137 : i32 to vector<16xi32>
        %add3A_139 = arith.addi %iota3A, %add3A_138 : vector<16xi32>
        %lt3A_140 = vector.broadcast %while3A_44#3 : i32 to vector<16xi32>
        %lt3A_141 = arith.cmpi slt, %add3A_139, %lt3A_140 : vector<16xi32>
        %select_n3A_142 = arith.select %lt3A_141, %get3A_136, %broadcast_in_dim3A_84 : vector<16xi1>, vector<16xi32>
        %swap3A_143 = arith.constant 80 : index
        %swap3A_144 = tpu.vector_load %arg13[%swap3A_143] {strides = array<i32>} : memref<128xi32, #tpu.memory_space<vmem>>, vector<16xi32>,
        tpu.vector_store %arg13[%swap3A_143], %select_n3A_142 {strides = array<i32>} : memref<128xi32, #tpu.memory_space<vmem>>, vector<16xi32>,
        %get3A_145 = arith.constant 96 : index
        %get3A_146 = tpu.vector_load %arg10[%get3A_145] {strides = array<i32>} : memref<144xi32, #tpu.memory_space<vmem>>, vector<16xi32>,
        %add3A_147 = arith.constant 96 : i32
        %add3A_148 = vector.broadcast %add3A_147 : i32 to vector<16xi32>
        %add3A_149 = arith.addi %iota3A, %add3A_148 : vector<16xi32>
        %lt3A_150 = vector.broadcast %while3A_44#3 : i32 to vector<16xi32>
        %lt3A_151 = arith.cmpi slt, %add3A_149, %lt3A_150 : vector<16xi32>
        %select_n3A_152 = arith.select %lt3A_151, %get3A_146, %broadcast_in_dim3A_84 : vector<16xi1>, vector<16xi32>
        %swap3A_153 = arith.constant 96 : index
        %swap3A_154 = tpu.vector_load %arg13[%swap3A_153] {strides = array<i32>} : memref<128xi32, #tpu.memory_space<vmem>>, vector<16xi32>,
        tpu.vector_store %arg13[%swap3A_153], %select_n3A_152 {strides = array<i32>} : memref<128xi32, #tpu.memory_space<vmem>>, vector<16xi32>,
        %get3A_155 = arith.constant 112 : index
        %get3A_156 = tpu.vector_load %arg10[%get3A_155] {strides = array<i32>} : memref<144xi32, #tpu.memory_space<vmem>>, vector<16xi32>,
        %add3A_157 = arith.constant 112 : i32
        %add3A_158 = vector.broadcast %add3A_157 : i32 to vector<16xi32>
        %add3A_159 = arith.addi %iota3A, %add3A_158 : vector<16xi32>
        %lt3A_160 = vector.broadcast %while3A_44#3 : i32 to vector<16xi32>
        %lt3A_161 = arith.cmpi slt, %add3A_159, %lt3A_160 : vector<16xi32>
        %select_n3A_162 = arith.select %lt3A_161, %get3A_156, %broadcast_in_dim3A_84 : vector<16xi1>, vector<16xi32>
        %swap3A_163 = arith.constant 112 : index
        %swap3A_164 = tpu.vector_load %arg13[%swap3A_163] {strides = array<i32>} : memref<128xi32, #tpu.memory_space<vmem>>, vector<16xi32>,
        tpu.vector_store %arg13[%swap3A_163], %select_n3A_162 {strides = array<i32>} : memref<128xi32, #tpu.memory_space<vmem>>, vector<16xi32>,
        %dma_start3A = arith.constant 0 : i32
        %dma_start3A_165 = arith.constant 0 : i32
        %dma_start3A_166 = tpu.memref_slice %arg3[%dma_start3A, %dma_start3A_165] : memref<32768x16xf32, #tpu.memory_space<hbm>> -> memref<32768x16xf32, #tpu.memory_space<hbm>>
        tpu.enqueue_indirect_dma source(%dma_start3A_166 : memref<32768x16xf32, #tpu.memory_space<hbm>>) target(%arg14 : memref<16x16xf32, #tpu.memory_space<vmem>>) offsets(%arg11 : memref<16xi32, #tpu.memory_space<vmem>>) semaphore(%arg18 : memref<!tpu.dma_semaphore, #tpu.memory_space<semaphore_mem>>)
        %dma_start3A_167 = arith.constant 0 : i32
        %dma_start3A_168 = arith.constant 0 : i32
        %dma_start3A_169 = tpu.memref_slice %arg3[%dma_start3A_167, %dma_start3A_168] : memref<32768x16xf32, #tpu.memory_space<hbm>> -> memref<32768x16xf32, #tpu.memory_space<hbm>>
        tpu.enqueue_indirect_dma source(%dma_start3A_169 : memref<32768x16xf32, #tpu.memory_space<hbm>>) target(%arg15 : memref<32x16xf32, #tpu.memory_space<vmem>>) offsets(%arg12 : memref<32xi32, #tpu.memory_space<vmem>>) semaphore(%arg19 : memref<!tpu.dma_semaphore, #tpu.memory_space<semaphore_mem>>)
        %dma_start3A_170 = arith.constant 0 : i32
        %dma_start3A_171 = arith.constant 0 : i32
        %dma_start3A_172 = tpu.memref_slice %arg3[%dma_start3A_170, %dma_start3A_171] : memref<32768x16xf32, #tpu.memory_space<hbm>> -> memref<32768x16xf32, #tpu.memory_space<hbm>>
        tpu.enqueue_indirect_dma source(%dma_start3A_172 : memref<32768x16xf32, #tpu.memory_space<hbm>>) target(%arg16 : memref<128x16xf32, #tpu.memory_space<vmem>>) offsets(%arg13 : memref<128xi32, #tpu.memory_space<vmem>>) semaphore(%arg20 : memref<!tpu.dma_semaphore, #tpu.memory_space<semaphore_mem>>)
        %dma_wait3A = arith.constant 0 : i32
        %dma_wait3A_173 = arith.constant 0 : i32
        %dma_wait3A_174 = tpu.memref_slice %arg3[%dma_wait3A, %dma_wait3A_173] : memref<32768x16xf32, #tpu.memory_space<hbm>> -> memref<32768x16xf32, #tpu.memory_space<hbm>>
        tpu.wait_indirect_dma semaphore(%arg18 : memref<!tpu.dma_semaphore, #tpu.memory_space<semaphore_mem>>) src(%dma_wait3A_174 : memref<32768x16xf32, #tpu.memory_space<hbm>>) dst(%arg14 : memref<16x16xf32, #tpu.memory_space<vmem>>)
        %mul3A_175 = arith.constant 16 : i32
        %mul3A_176 = arith.muli %add3A_22, %mul3A_175 : i32
        "tpu.region"() ({
          %run_scoped3A = tpu.sem_alloc : memref<!tpu.dma_semaphore, #tpu.memory_space<semaphore_mem>>
          %dma_start3A_187 = arith.constant 0 : i32
          %dma_start3A_188 = tpu.memref_slice %arg4[%mul3A_176, %dma_start3A_187] : memref<65536x16xf32, #tpu.memory_space<hbm>> -> memref<16x16xf32, #tpu.memory_space<hbm>>
          %dma_start3A_189 = arith.constant 0 : i32
          %dma_start3A_190 = tpu.memref_slice %arg4[%mul3A_176, %dma_start3A_189] : memref<65536x16xf32, #tpu.memory_space<hbm>> -> memref<16x16xf32, #tpu.memory_space<hbm>>
          tpu.enqueue_dma source(%arg14 : memref<16x16xf32, #tpu.memory_space<vmem>>) target(%dma_start3A_190 : memref<16x16xf32, #tpu.memory_space<hbm>>) target_semaphore(%run_scoped3A : memref<!tpu.dma_semaphore, #tpu.memory_space<semaphore_mem>>)
          %dma_wait3A_191 = arith.constant 0 : i32
          %dma_wait3A_192 = tpu.memref_slice %arg4[%mul3A_176, %dma_wait3A_191] : memref<65536x16xf32, #tpu.memory_space<hbm>> -> memref<16x16xf32, #tpu.memory_space<hbm>>
          %dma_wait3A_193 = arith.constant 0 : i32
          %dma_wait3A_194 = tpu.memref_slice %arg4[%mul3A_176, %dma_wait3A_193] : memref<65536x16xf32, #tpu.memory_space<hbm>> -> memref<16x16xf32, #tpu.memory_space<hbm>>
          tpu.wait_dma2 semaphore(%run_scoped3A : memref<!tpu.dma_semaphore, #tpu.memory_space<semaphore_mem>>) src(%arg14 : memref<16x16xf32, #tpu.memory_space<vmem>>) dst(%dma_wait3A_194 : memref<16x16xf32, #tpu.memory_space<hbm>>)
          tpu.yield
        }) : () -> ()
        %dma_wait3A_177 = arith.constant 0 : i32
        %dma_wait3A_178 = arith.constant 0 : i32
        %dma_wait3A_179 = tpu.memref_slice %arg3[%dma_wait3A_177, %dma_wait3A_178] : memref<32768x16xf32, #tpu.memory_space<hbm>> -> memref<32768x16xf32, #tpu.memory_space<hbm>>
        tpu.wait_indirect_dma semaphore(%arg19 : memref<!tpu.dma_semaphore, #tpu.memory_space<semaphore_mem>>) src(%dma_wait3A_179 : memref<32768x16xf32, #tpu.memory_space<hbm>>) dst(%arg15 : memref<32x16xf32, #tpu.memory_space<vmem>>)
        %mul3A_180 = arith.constant 32 : i32
        %mul3A_181 = arith.muli %add3A_22, %mul3A_180 : i32
        "tpu.region"() ({
          %run_scoped3A = tpu.sem_alloc : memref<!tpu.dma_semaphore, #tpu.memory_space<semaphore_mem>>
          %dma_start3A_187 = arith.constant 0 : i32
          %dma_start3A_188 = tpu.memref_slice %arg5[%mul3A_181, %dma_start3A_187] : memref<131072x16xf32, #tpu.memory_space<hbm>> -> memref<32x16xf32, #tpu.memory_space<hbm>>
          %dma_start3A_189 = arith.constant 0 : i32
          %dma_start3A_190 = tpu.memref_slice %arg5[%mul3A_181, %dma_start3A_189] : memref<131072x16xf32, #tpu.memory_space<hbm>> -> memref<32x16xf32, #tpu.memory_space<hbm>>
          tpu.enqueue_dma source(%arg15 : memref<32x16xf32, #tpu.memory_space<vmem>>) target(%dma_start3A_190 : memref<32x16xf32, #tpu.memory_space<hbm>>) target_semaphore(%run_scoped3A : memref<!tpu.dma_semaphore, #tpu.memory_space<semaphore_mem>>)
          %dma_wait3A_191 = arith.constant 0 : i32
          %dma_wait3A_192 = tpu.memref_slice %arg5[%mul3A_181, %dma_wait3A_191] : memref<131072x16xf32, #tpu.memory_space<hbm>> -> memref<32x16xf32, #tpu.memory_space<hbm>>
          %dma_wait3A_193 = arith.constant 0 : i32
          %dma_wait3A_194 = tpu.memref_slice %arg5[%mul3A_181, %dma_wait3A_193] : memref<131072x16xf32, #tpu.memory_space<hbm>> -> memref<32x16xf32, #tpu.memory_space<hbm>>
          tpu.wait_dma2 semaphore(%run_scoped3A : memref<!tpu.dma_semaphore, #tpu.memory_space<semaphore_mem>>) src(%arg15 : memref<32x16xf32, #tpu.memory_space<vmem>>) dst(%dma_wait3A_194 : memref<32x16xf32, #tpu.memory_space<hbm>>)
          tpu.yield
        }) : () -> ()
        %dma_wait3A_182 = arith.constant 0 : i32
        %dma_wait3A_183 = arith.constant 0 : i32
        %dma_wait3A_184 = tpu.memref_slice %arg3[%dma_wait3A_182, %dma_wait3A_183] : memref<32768x16xf32, #tpu.memory_space<hbm>> -> memref<32768x16xf32, #tpu.memory_space<hbm>>
        tpu.wait_indirect_dma semaphore(%arg20 : memref<!tpu.dma_semaphore, #tpu.memory_space<semaphore_mem>>) src(%dma_wait3A_184 : memref<32768x16xf32, #tpu.memory_space<hbm>>) dst(%arg16 : memref<128x16xf32, #tpu.memory_space<vmem>>)
        %mul3A_185 = arith.constant 128 : i32
        %mul3A_186 = arith.muli %add3A_22, %mul3A_185 : i32
        "tpu.region"() ({
          %run_scoped3A = tpu.sem_alloc : memref<!tpu.dma_semaphore, #tpu.memory_space<semaphore_mem>>
          %dma_start3A_187 = arith.constant 0 : i32
          %dma_start3A_188 = tpu.memref_slice %arg6[%mul3A_186, %dma_start3A_187] : memref<524288x16xf32, #tpu.memory_space<hbm>> -> memref<128x16xf32, #tpu.memory_space<hbm>>
          %dma_start3A_189 = arith.constant 0 : i32
          %dma_start3A_190 = tpu.memref_slice %arg6[%mul3A_186, %dma_start3A_189] : memref<524288x16xf32, #tpu.memory_space<hbm>> -> memref<128x16xf32, #tpu.memory_space<hbm>>
          tpu.enqueue_dma source(%arg16 : memref<128x16xf32, #tpu.memory_space<vmem>>) target(%dma_start3A_190 : memref<128x16xf32, #tpu.memory_space<hbm>>) target_semaphore(%run_scoped3A : memref<!tpu.dma_semaphore, #tpu.memory_space<semaphore_mem>>)
          %dma_wait3A_191 = arith.constant 0 : i32
          %dma_wait3A_192 = tpu.memref_slice %arg6[%mul3A_186, %dma_wait3A_191] : memref<524288x16xf32, #tpu.memory_space<hbm>> -> memref<128x16xf32, #tpu.memory_space<hbm>>
          %dma_wait3A_193 = arith.constant 0 : i32
          %dma_wait3A_194 = tpu.memref_slice %arg6[%mul3A_186, %dma_wait3A_193] : memref<524288x16xf32, #tpu.memory_space<hbm>> -> memref<128x16xf32, #tpu.memory_space<hbm>>
          tpu.wait_dma2 semaphore(%run_scoped3A : memref<!tpu.dma_semaphore, #tpu.memory_space<semaphore_mem>>) src(%arg16 : memref<128x16xf32, #tpu.memory_space<vmem>>) dst(%dma_wait3A_194 : memref<128x16xf32, #tpu.memory_space<hbm>>)
          tpu.yield
        }) : () -> ()
      }
      %scan3A_20 = arith.constant 8 : i32
    }
    %scan3A_8 = arith.constant 16 : i32
    return
  }
}

module attributes {stable_mosaic.version = 14 : i64} {
  func.func @_fps_body(%arg0: i32, %arg1: memref<8x4096xf32, #tpu.memory_space<vmem>>, %arg2: memref<8x4096xf32, #tpu.memory_space<vmem>>, %arg3: memref<8x4096xf32, #tpu.memory_space<vmem>>, %arg4: memref<512x8xf32, #tpu.memory_space<vmem>>, %arg5: memref<512x8xf32, #tpu.memory_space<vmem>>, %arg6: memref<512x8xf32, #tpu.memory_space<vmem>>) attributes {dimension_semantics = [#tpu.dimension_semantics<arbitrary>], iteration_bounds = array<i64: 1>, scalar_prefetch = 0 : i64, scratch_operands = 0 : i64, tpu.core_type = #tpu.core_type<tc>, window_params = [{pipeline_mode = #tpu.pipeline_mode<synchronous>, transform_indices = @transform_0, window_bounds = array<i64: 8, 4096>}, {pipeline_mode = #tpu.pipeline_mode<synchronous>, transform_indices = @transform_1, window_bounds = array<i64: 8, 4096>}, {pipeline_mode = #tpu.pipeline_mode<synchronous>, transform_indices = @transform_2, window_bounds = array<i64: 8, 4096>}, {pipeline_mode = #tpu.pipeline_mode<synchronous>, transform_indices = @transform_3, window_bounds = array<i64: 512, 8>}, {pipeline_mode = #tpu.pipeline_mode<synchronous>, transform_indices = @transform_4, window_bounds = array<i64: 512, 8>}, {pipeline_mode = #tpu.pipeline_mode<synchronous>, transform_indices = @transform_5, window_bounds = array<i64: 512, 8>}]} {
    %get3A = arith.constant 0 : index
    %get3A_0 = arith.constant 0 : index
    %get3A_1 = vector.load %arg1[%get3A, %get3A_0] : memref<8x4096xf32, #tpu.memory_space<vmem>>, vector<8x4096xf32>
    %get3A_2 = arith.constant 0 : index
    %get3A_3 = arith.constant 0 : index
    %get3A_4 = vector.load %arg2[%get3A_2, %get3A_3] : memref<8x4096xf32, #tpu.memory_space<vmem>>, vector<8x4096xf32>
    %get3A_5 = arith.constant 0 : index
    %get3A_6 = arith.constant 0 : index
    %get3A_7 = vector.load %arg3[%get3A_5, %get3A_6] : memref<8x4096xf32, #tpu.memory_space<vmem>>, vector<8x4096xf32>
    %iota3A = tpu.iota {dimensions = array<i32: 1>} : vector<8x4096xi32>
    %slice3A = vector.extract_strided_slice %get3A_1 {offsets = [0, 0], sizes = [8, 1], strides = [1, 1]} : vector<8x4096xf32> to vector<8x1xf32>
    %slice3A_8 = vector.extract_strided_slice %get3A_4 {offsets = [0, 0], sizes = [8, 1], strides = [1, 1]} : vector<8x4096xf32> to vector<8x1xf32>
    %slice3A_9 = vector.extract_strided_slice %get3A_7 {offsets = [0, 0], sizes = [8, 1], strides = [1, 1]} : vector<8x4096xf32> to vector<8x1xf32>
    %reshape3A = vector.shape_cast %slice3A : vector<8x1xf32> to vector<1x8xf32>
    %swap3A = arith.constant 0 : index
    %swap3A_10 = arith.constant 0 : index
    %swap3A_11 = vector.load %arg4[%swap3A, %swap3A_10] : memref<512x8xf32, #tpu.memory_space<vmem>>, vector<1x8xf32>
    tpu.vector_store %arg4[%swap3A, %swap3A_10], %reshape3A {strides = array<i32>} : memref<512x8xf32, #tpu.memory_space<vmem>>, vector<1x8xf32>,
    %reshape3A_12 = vector.shape_cast %slice3A_8 : vector<8x1xf32> to vector<1x8xf32>
    %swap3A_13 = arith.constant 0 : index
    %swap3A_14 = arith.constant 0 : index
    %swap3A_15 = vector.load %arg5[%swap3A_13, %swap3A_14] : memref<512x8xf32, #tpu.memory_space<vmem>>, vector<1x8xf32>
    tpu.vector_store %arg5[%swap3A_13, %swap3A_14], %reshape3A_12 {strides = array<i32>} : memref<512x8xf32, #tpu.memory_space<vmem>>, vector<1x8xf32>,
    %reshape3A_16 = vector.shape_cast %slice3A_9 : vector<8x1xf32> to vector<1x8xf32>
    %swap3A_17 = arith.constant 0 : index
    %swap3A_18 = arith.constant 0 : index
    %swap3A_19 = vector.load %arg6[%swap3A_17, %swap3A_18] : memref<512x8xf32, #tpu.memory_space<vmem>>, vector<1x8xf32>
    tpu.vector_store %arg6[%swap3A_17, %swap3A_18], %reshape3A_16 {strides = array<i32>} : memref<512x8xf32, #tpu.memory_space<vmem>>, vector<1x8xf32>,
    %broadcast_in_dim3A = arith.constant 1.000000e+10 : f32
    %broadcast_in_dim3A_20 = vector.broadcast %broadcast_in_dim3A : f32 to vector<8x4096xf32>
    %scan3A = arith.constant 1 : i32
    %scan3A_21 = arith.constant 511 : i32
    %scan3A_22 = arith.addi %scan3A, %scan3A_21 : i32
    %scan3A_23 = arith.constant 1 : i32
    %scan3A_24:4 = scf.for %scan3A_26 = %scan3A to %scan3A_22 step %scan3A_23 iter_args(%scan3A_27 = %broadcast_in_dim3A_20, %scan3A_28 = %slice3A, %scan3A_29 = %slice3A_8, %scan3A_30 = %slice3A_9) -> (vector<8x4096xf32>, vector<8x1xf32>, vector<8x1xf32>, vector<8x1xf32>)  : i32 {
      %sub3A = vector.broadcast %scan3A_28 : vector<8x1xf32> to vector<8x4096xf32>
      %sub3A_31 = arith.subf %get3A_1, %sub3A : vector<8x4096xf32>
      %sub3A_32 = vector.broadcast %scan3A_29 : vector<8x1xf32> to vector<8x4096xf32>
      %sub3A_33 = arith.subf %get3A_4, %sub3A_32 : vector<8x4096xf32>
      %sub3A_34 = vector.broadcast %scan3A_30 : vector<8x1xf32> to vector<8x4096xf32>
      %sub3A_35 = arith.subf %get3A_7, %sub3A_34 : vector<8x4096xf32>
      %mul3A = arith.mulf %sub3A_31, %sub3A_31 : vector<8x4096xf32>
      %mul3A_36 = arith.mulf %sub3A_33, %sub3A_33 : vector<8x4096xf32>
      %add3A = arith.addf %mul3A, %mul3A_36 : vector<8x4096xf32>
      %mul3A_37 = arith.mulf %sub3A_35, %sub3A_35 : vector<8x4096xf32>
      %add3A_38 = arith.addf %add3A, %mul3A_37 : vector<8x4096xf32>
      %min3A = arith.minimumf %scan3A_27, %add3A_38 : vector<8x4096xf32>
      %argmax3A = tpu.reduce_index %min3A {axis = 1 : i32, kind = #tpu.reduction_kind<arg_max>} : vector<8x4096xf32> -> vector<8xi32>
      %broadcast_in_dim3A_39 = vector.shape_cast %argmax3A : vector<8xi32> to vector<8x1xi32>
      %eq3A = vector.broadcast %broadcast_in_dim3A_39 : vector<8x1xi32> to vector<8x4096xi32>
      %eq3A_40 = arith.cmpi eq, %iota3A, %eq3A : vector<8x4096xi32>
      %jit3A = arith.constant 0.000000e+00 : f32
      %broadcast_in_dim3A_41 = vector.broadcast %jit3A : f32 to vector<8x4096xf32>
      %select_n3A = arith.select %eq3A_40, %get3A_1, %broadcast_in_dim3A_41 : vector<8x4096xi1>, vector<8x4096xf32>
      %reduce_sum3A = arith.constant dense<0.000000e+00> : vector<8xf32>
      %reduce_sum3A_42 = vector.multi_reduction <add>, %select_n3A, %reduce_sum3A [1] : vector<8x4096xf32> to vector<8xf32>
      %broadcast_in_dim3A_43 = vector.shape_cast %reduce_sum3A_42 : vector<8xf32> to vector<8x1xf32>
      %jit3A_44 = arith.constant 0.000000e+00 : f32
      %broadcast_in_dim3A_45 = vector.broadcast %jit3A_44 : f32 to vector<8x4096xf32>
      %select_n3A_46 = arith.select %eq3A_40, %get3A_4, %broadcast_in_dim3A_45 : vector<8x4096xi1>, vector<8x4096xf32>
      %reduce_sum3A_47 = arith.constant dense<0.000000e+00> : vector<8xf32>
      %reduce_sum3A_48 = vector.multi_reduction <add>, %select_n3A_46, %reduce_sum3A_47 [1] : vector<8x4096xf32> to vector<8xf32>
      %broadcast_in_dim3A_49 = vector.shape_cast %reduce_sum3A_48 : vector<8xf32> to vector<8x1xf32>
      %jit3A_50 = arith.constant 0.000000e+00 : f32
      %broadcast_in_dim3A_51 = vector.broadcast %jit3A_50 : f32 to vector<8x4096xf32>
      %select_n3A_52 = arith.select %eq3A_40, %get3A_7, %broadcast_in_dim3A_51 : vector<8x4096xi1>, vector<8x4096xf32>
      %reduce_sum3A_53 = arith.constant dense<0.000000e+00> : vector<8xf32>
      %reduce_sum3A_54 = vector.multi_reduction <add>, %select_n3A_52, %reduce_sum3A_53 [1] : vector<8x4096xf32> to vector<8xf32>
      %broadcast_in_dim3A_55 = vector.shape_cast %reduce_sum3A_54 : vector<8xf32> to vector<8x1xf32>
      %reshape3A_56 = vector.shape_cast %broadcast_in_dim3A_43 : vector<8x1xf32> to vector<1x8xf32>
      %swap3A_57 = arith.index_cast %scan3A_26 : i32 to index
      %swap3A_58 = arith.constant 0 : index
      %swap3A_59 = vector.load %arg4[%swap3A_57, %swap3A_58] : memref<512x8xf32, #tpu.memory_space<vmem>>, vector<1x8xf32>
      tpu.vector_store %arg4[%swap3A_57, %swap3A_58], %reshape3A_56 {strides = array<i32>} : memref<512x8xf32, #tpu.memory_space<vmem>>, vector<1x8xf32>,
      %reshape3A_60 = vector.shape_cast %broadcast_in_dim3A_49 : vector<8x1xf32> to vector<1x8xf32>
      %swap3A_61 = arith.index_cast %scan3A_26 : i32 to index
      %swap3A_62 = arith.constant 0 : index
      %swap3A_63 = vector.load %arg5[%swap3A_61, %swap3A_62] : memref<512x8xf32, #tpu.memory_space<vmem>>, vector<1x8xf32>
      tpu.vector_store %arg5[%swap3A_61, %swap3A_62], %reshape3A_60 {strides = array<i32>} : memref<512x8xf32, #tpu.memory_space<vmem>>, vector<1x8xf32>,
      %reshape3A_64 = vector.shape_cast %broadcast_in_dim3A_55 : vector<8x1xf32> to vector<1x8xf32>
      %swap3A_65 = arith.index_cast %scan3A_26 : i32 to index
      %swap3A_66 = arith.constant 0 : index
      %swap3A_67 = vector.load %arg6[%swap3A_65, %swap3A_66] : memref<512x8xf32, #tpu.memory_space<vmem>>, vector<1x8xf32>
      tpu.vector_store %arg6[%swap3A_65, %swap3A_66], %reshape3A_64 {strides = array<i32>} : memref<512x8xf32, #tpu.memory_space<vmem>>, vector<1x8xf32>,
      scf.yield %min3A, %broadcast_in_dim3A_43, %broadcast_in_dim3A_49, %broadcast_in_dim3A_55 : vector<8x4096xf32>, vector<8x1xf32>, vector<8x1xf32>, vector<8x1xf32>
    }
    %scan3A_25 = arith.constant 511 : i32
    return
  }
  func.func @transform_0(%arg0: i32) -> (i32, i32) {
    %c0_i32 = arith.constant 0 : i32
    %c0_i32_0 = arith.constant 0 : i32
    %c0_i32_1 = arith.constant 0 : i32
    return %c0_i32, %c0_i32_0 : i32, i32
  }
  func.func @transform_1(%arg0: i32) -> (i32, i32) {
    %c0_i32 = arith.constant 0 : i32
    %c0_i32_0 = arith.constant 0 : i32
    %c0_i32_1 = arith.constant 0 : i32
    return %c0_i32, %c0_i32_0 : i32, i32
  }
  func.func @transform_2(%arg0: i32) -> (i32, i32) {
    %c0_i32 = arith.constant 0 : i32
    %c0_i32_0 = arith.constant 0 : i32
    %c0_i32_1 = arith.constant 0 : i32
    return %c0_i32, %c0_i32_0 : i32, i32
  }
  func.func @transform_3(%arg0: i32) -> (i32, i32) {
    %c0_i32 = arith.constant 0 : i32
    %c0_i32_0 = arith.constant 0 : i32
    %c0_i32_1 = arith.constant 0 : i32
    return %c0_i32, %c0_i32_0 : i32, i32
  }
  func.func @transform_4(%arg0: i32) -> (i32, i32) {
    %c0_i32 = arith.constant 0 : i32
    %c0_i32_0 = arith.constant 0 : i32
    %c0_i32_1 = arith.constant 0 : i32
    return %c0_i32, %c0_i32_0 : i32, i32
  }
  func.func @transform_5(%arg0: i32) -> (i32, i32) {
    %c0_i32 = arith.constant 0 : i32
    %c0_i32_0 = arith.constant 0 : i32
    %c0_i32_1 = arith.constant 0 : i32
    return %c0_i32, %c0_i32_0 : i32, i32
  }
}

module attributes {stable_mosaic.version = 14 : i64} {
  func.func @_dist_body(%arg0: i32, %arg1: i32, %arg2: memref<1x8x256xf32, #tpu.memory_space<vmem>>, %arg3: memref<1x8x4096xf32, #tpu.memory_space<vmem>>, %arg4: memref<1x256x4096xf32, #tpu.memory_space<vmem>>) attributes {dimension_semantics = [#tpu.dimension_semantics<arbitrary>, #tpu.dimension_semantics<arbitrary>], iteration_bounds = array<i64: 8, 2>, scalar_prefetch = 0 : i64, scratch_operands = 0 : i64, tpu.core_type = #tpu.core_type<tc>, window_params = [{transform_indices = @transform_0, window_bounds = array<i64: 1, 8, 256>}, {transform_indices = @transform_1, window_bounds = array<i64: 1, 8, 4096>}, {transform_indices = @transform_2, window_bounds = array<i64: 1, 256, 4096>}]} {
    %get3A = arith.constant 0 : index
    %get3A_0 = arith.constant 0 : index
    %get3A_1 = arith.constant 0 : index
    %get3A_2 = vector.load %arg3[%get3A, %get3A_0, %get3A_1] : memref<1x8x4096xf32, #tpu.memory_space<vmem>>, vector<1x8x4096xf32>
    %get3A_3 = vector.shape_cast %get3A_2 : vector<1x8x4096xf32> to vector<8x4096xf32>
    %get3A_4 = arith.constant 0 : index
    %get3A_5 = arith.constant 0 : index
    %get3A_6 = arith.constant 0 : index
    %get3A_7 = vector.load %arg2[%get3A_4, %get3A_5, %get3A_6] : memref<1x8x256xf32, #tpu.memory_space<vmem>>, vector<1x8x256xf32>
    %get3A_8 = vector.shape_cast %get3A_7 : vector<1x8x256xf32> to vector<8x256xf32>
    %transpose3A = tpu.transpose %get3A_8, [1, 0] : vector<8x256xf32> -> vector<256x8xf32>
    %dot_general3A = arith.constant dense<0.000000e+00> : vector<256x4096xf32>
    %dot_general3A_9 = tpu.matmul %transpose3A, %get3A_3, %dot_general3A {dimension_numbers = #tpu.dot_dimension_numbers<[1], [0], [0], [1], [0, 0, 1, 1], [], []>, transpose_lhs_hint = false} : vector<256x8xf32>, vector<8x4096xf32>, vector<256x4096xf32> -> vector<256x4096xf32>
    %mul3A = arith.mulf %transpose3A, %transpose3A : vector<256x8xf32>
    %reduce_sum3A = arith.constant dense<0.000000e+00> : vector<256xf32>
    %reduce_sum3A_10 = vector.multi_reduction <add>, %mul3A, %reduce_sum3A [1] : vector<256x8xf32> to vector<256xf32>
    %broadcast_in_dim3A = vector.shape_cast %reduce_sum3A_10 : vector<256xf32> to vector<256x1xf32>
    %mul3A_11 = arith.mulf %get3A_3, %get3A_3 : vector<8x4096xf32>
    %reduce_sum3A_12 = arith.constant dense<0.000000e+00> : vector<4096xf32>
    %reduce_sum3A_13 = vector.multi_reduction <add>, %mul3A_11, %reduce_sum3A_12 [0] : vector<8x4096xf32> to vector<4096xf32>
    %broadcast_in_dim3A_14 = vector.shape_cast %reduce_sum3A_13 : vector<4096xf32> to vector<1x4096xf32>
    %add3A = vector.broadcast %broadcast_in_dim3A : vector<256x1xf32> to vector<256x4096xf32>
    %add3A_15 = vector.broadcast %broadcast_in_dim3A_14 : vector<1x4096xf32> to vector<256x4096xf32>
    %add3A_16 = arith.addf %add3A, %add3A_15 : vector<256x4096xf32>
    %mul3A_17 = arith.constant 2.000000e+00 : f32
    %mul3A_18 = vector.broadcast %mul3A_17 : f32 to vector<256x4096xf32>
    %mul3A_19 = arith.mulf %mul3A_18, %dot_general3A_9 : vector<256x4096xf32>
    %sub3A = arith.subf %add3A_16, %mul3A_19 : vector<256x4096xf32>
    %swap3A = arith.constant 0 : index
    %swap3A_20 = arith.constant 0 : index
    %swap3A_21 = arith.constant 0 : index
    %swap3A_22 = vector.load %arg4[%swap3A, %swap3A_20, %swap3A_21] : memref<1x256x4096xf32, #tpu.memory_space<vmem>>, vector<1x256x4096xf32>
    %swap3A_23 = vector.shape_cast %swap3A_22 : vector<1x256x4096xf32> to vector<256x4096xf32>
    %swap3A_24 = vector.shape_cast %sub3A : vector<256x4096xf32> to vector<1x256x4096xf32>
    tpu.vector_store %arg4[%swap3A, %swap3A_20, %swap3A_21], %swap3A_24 {strides = array<i32>} : memref<1x256x4096xf32, #tpu.memory_space<vmem>>, vector<1x256x4096xf32>,
    return
  }
  func.func @transform_0(%arg0: i32, %arg1: i32) -> (i32, i32, i32) {
    %c0_i32 = arith.constant 0 : i32
    %c0_i32_0 = arith.constant 0 : i32
    return %arg0, %c0_i32, %arg1 : i32, i32, i32
  }
  func.func @transform_1(%arg0: i32, %arg1: i32) -> (i32, i32, i32) {
    %c0_i32 = arith.constant 0 : i32
    %c0_i32_0 = arith.constant 0 : i32
    %c0_i32_1 = arith.constant 0 : i32
    return %arg0, %c0_i32, %c0_i32_0 : i32, i32, i32
  }
  func.func @transform_2(%arg0: i32, %arg1: i32) -> (i32, i32, i32) {
    %c0_i32 = arith.constant 0 : i32
    %c0_i32_0 = arith.constant 0 : i32
    return %arg0, %arg1, %c0_i32 : i32, i32, i32
  }
}

module attributes {stable_mosaic.version = 14 : i64} {
  func.func @_mlp_layer_body(%arg0: i32, %arg1: memref<64x16x16xf32, #tpu.memory_space<vmem>>, %arg2: memref<16x32xf32, #tpu.memory_space<vmem>>, %arg3: memref<8x32xf32, #tpu.memory_space<vmem>>, %arg4: memref<64x16xf32, #tpu.memory_space<vmem>>, %arg5: memref<8x16xf32, #tpu.memory_space<vmem>>, %arg6: memref<64x16x32xf32, #tpu.memory_space<vmem>>, %arg7: memref<1x8x32xf32, #tpu.memory_space<vmem>>) attributes {dimension_semantics = [#tpu.dimension_semantics<arbitrary>], iteration_bounds = array<i64: 64>, scalar_prefetch = 0 : i64, scratch_operands = 0 : i64, tpu.core_type = #tpu.core_type<tc>, window_params = [{transform_indices = @transform_0, window_bounds = array<i64: 64, 16, 16>}, {pipeline_mode = #tpu.pipeline_mode<synchronous>, transform_indices = @transform_1, window_bounds = array<i64: 16, 32>}, {pipeline_mode = #tpu.pipeline_mode<synchronous>, transform_indices = @transform_2, window_bounds = array<i64: 8, 32>}, {transform_indices = @transform_3, window_bounds = array<i64: 64, 16>}, {pipeline_mode = #tpu.pipeline_mode<synchronous>, transform_indices = @transform_4, window_bounds = array<i64: 8, 16>}, {transform_indices = @transform_5, window_bounds = array<i64: 64, 16, 32>}, {transform_indices = @transform_6, window_bounds = array<i64: 1, 8, 32>}]} {
    %get3A = arith.constant 0 : index
    %get3A_0 = arith.constant 0 : index
    %get3A_1 = vector.load %arg4[%get3A, %get3A_0] : memref<64x16xf32, #tpu.memory_space<vmem>>, vector<64x16xf32>
    %get3A_2 = arith.constant 0 : index
    %get3A_3 = arith.constant 0 : index
    %get3A_4 = arith.constant 0 : index
    %get3A_5 = vector.load %arg1[%get3A_2, %get3A_3, %get3A_4] : memref<64x16x16xf32, #tpu.memory_space<vmem>>, vector<64x16x16xf32>
    %broadcast_in_dim3A = vector.shape_cast %get3A_1 : vector<64x16xf32> to vector<64x1x16xf32>
    %sub3A = vector.broadcast %broadcast_in_dim3A : vector<64x1x16xf32> to vector<64x16x16xf32>
    %sub3A_6 = arith.subf %get3A_5, %sub3A : vector<64x16x16xf32>
    %reshape3A = vector.shape_cast %sub3A_6 : vector<64x16x16xf32> to vector<1024x16xf32>
    %get3A_7 = arith.constant 0 : index
    %get3A_8 = arith.constant 0 : index
    %get3A_9 = vector.load %arg2[%get3A_7, %get3A_8] : memref<16x32xf32, #tpu.memory_space<vmem>>, vector<16x32xf32>
    %dot_general3A = arith.constant dense<0.000000e+00> : vector<1024x32xf32>
    %dot_general3A_10 = tpu.matmul %reshape3A, %get3A_9, %dot_general3A {dimension_numbers = #tpu.dot_dimension_numbers<[1], [0], [0], [1], [0, 0, 1, 1], [], []>, transpose_lhs_hint = false} : vector<1024x16xf32>, vector<16x32xf32>, vector<1024x32xf32> -> vector<1024x32xf32>
    %get3A_11 = arith.constant 0 : index
    %get3A_12 = arith.constant 0 : index
    %get3A_13 = vector.load %arg3[%get3A_11, %get3A_12] : memref<8x32xf32, #tpu.memory_space<vmem>>, vector<1x32xf32>
    %add3A = vector.broadcast %get3A_13 : vector<1x32xf32> to vector<1024x32xf32>
    %add3A_14 = arith.addf %dot_general3A_10, %add3A : vector<1024x32xf32>
    %reshape3A_15 = vector.shape_cast %add3A_14 : vector<1024x32xf32> to vector<64x16x32xf32>
    %swap3A = arith.constant 0 : index
    %swap3A_16 = arith.constant 0 : index
    %swap3A_17 = arith.constant 0 : index
    %swap3A_18 = vector.load %arg6[%swap3A, %swap3A_16, %swap3A_17] : memref<64x16x32xf32, #tpu.memory_space<vmem>>, vector<64x16x32xf32>
    tpu.vector_store %arg6[%swap3A, %swap3A_16, %swap3A_17], %reshape3A_15 {strides = array<i32>} : memref<64x16x32xf32, #tpu.memory_space<vmem>>, vector<64x16x32xf32>,
    %reduce_sum3A = arith.constant dense<0.000000e+00> : vector<32xf32>
    %reduce_sum3A_19 = vector.multi_reduction <add>, %add3A_14, %reduce_sum3A [0] : vector<1024x32xf32> to vector<32xf32>
    %mul3A = arith.mulf %add3A_14, %add3A_14 : vector<1024x32xf32>
    %reduce_sum3A_20 = arith.constant dense<0.000000e+00> : vector<32xf32>
    %reduce_sum3A_21 = vector.multi_reduction <add>, %mul3A, %reduce_sum3A_20 [0] : vector<1024x32xf32> to vector<32xf32>
    %broadcast_in_dim3A_22 = vector.shape_cast %reduce_sum3A_19 : vector<32xf32> to vector<1x32xf32>
    %broadcast_in_dim3A_23 = vector.shape_cast %reduce_sum3A_21 : vector<32xf32> to vector<1x32xf32>
    %broadcast_in_dim3A_24 = arith.constant 0.000000e+00 : f32
    %broadcast_in_dim3A_25 = vector.broadcast %broadcast_in_dim3A_24 : f32 to vector<6x32xf32>
    %concatenate3A = tpu.concatenate %broadcast_in_dim3A_22, %broadcast_in_dim3A_23, %broadcast_in_dim3A_25 in 0 : vector<1x32xf32>, vector<1x32xf32>, vector<6x32xf32> -> vector<8x32xf32>
    %swap3A_26 = arith.constant 0 : index
    %swap3A_27 = arith.constant 0 : index
    %swap3A_28 = arith.constant 0 : index
    %swap3A_29 = vector.load %arg7[%swap3A_26, %swap3A_27, %swap3A_28] : memref<1x8x32xf32, #tpu.memory_space<vmem>>, vector<1x8x32xf32>
    %swap3A_30 = vector.shape_cast %swap3A_29 : vector<1x8x32xf32> to vector<8x32xf32>
    %swap3A_31 = vector.shape_cast %concatenate3A : vector<8x32xf32> to vector<1x8x32xf32>
    tpu.vector_store %arg7[%swap3A_26, %swap3A_27, %swap3A_28], %swap3A_31 {strides = array<i32>} : memref<1x8x32xf32, #tpu.memory_space<vmem>>, vector<1x8x32xf32>,
    return
  }
  func.func @transform_0(%arg0: i32) -> (i32, i32, i32) {
    %c0_i32 = arith.constant 0 : i32
    %c0_i32_0 = arith.constant 0 : i32
    %c0_i32_1 = arith.constant 0 : i32
    return %arg0, %c0_i32, %c0_i32_0 : i32, i32, i32
  }
  func.func @transform_1(%arg0: i32) -> (i32, i32) {
    %c0_i32 = arith.constant 0 : i32
    %c0_i32_0 = arith.constant 0 : i32
    %c0_i32_1 = arith.constant 0 : i32
    return %c0_i32, %c0_i32_0 : i32, i32
  }
  func.func @transform_2(%arg0: i32) -> (i32, i32) {
    %c0_i32 = arith.constant 0 : i32
    %c0_i32_0 = arith.constant 0 : i32
    %c0_i32_1 = arith.constant 0 : i32
    return %c0_i32, %c0_i32_0 : i32, i32
  }
  func.func @transform_3(%arg0: i32) -> (i32, i32) {
    %c0_i32 = arith.constant 0 : i32
    %c0_i32_0 = arith.constant 0 : i32
    return %arg0, %c0_i32 : i32, i32
  }
  func.func @transform_4(%arg0: i32) -> (i32, i32) {
    %c0_i32 = arith.constant 0 : i32
    %c0_i32_0 = arith.constant 0 : i32
    %c0_i32_1 = arith.constant 0 : i32
    return %c0_i32, %c0_i32_0 : i32, i32
  }
  func.func @transform_5(%arg0: i32) -> (i32, i32, i32) {
    %c0_i32 = arith.constant 0 : i32
    %c0_i32_0 = arith.constant 0 : i32
    %c0_i32_1 = arith.constant 0 : i32
    return %arg0, %c0_i32, %c0_i32_0 : i32, i32, i32
  }
  func.func @transform_6(%arg0: i32) -> (i32, i32, i32) {
    %c0_i32 = arith.constant 0 : i32
    %c0_i32_0 = arith.constant 0 : i32
    %c0_i32_1 = arith.constant 0 : i32
    return %arg0, %c0_i32, %c0_i32_0 : i32, i32, i32
  }
}

module attributes {stable_mosaic.version = 14 : i64} {
  func.func @_mlp_layer_body(%arg0: i32, %arg1: memref<64x16x32xf32, #tpu.memory_space<vmem>>, %arg2: memref<32x32xf32, #tpu.memory_space<vmem>>, %arg3: memref<8x32xf32, #tpu.memory_space<vmem>>, %arg4: memref<64x8x32xf32, #tpu.memory_space<vmem>>, %arg5: memref<8x32xf32, #tpu.memory_space<vmem>>, %arg6: memref<64x16x32xf32, #tpu.memory_space<vmem>>, %arg7: memref<1x8x32xf32, #tpu.memory_space<vmem>>) attributes {dimension_semantics = [#tpu.dimension_semantics<arbitrary>], iteration_bounds = array<i64: 64>, scalar_prefetch = 0 : i64, scratch_operands = 0 : i64, tpu.core_type = #tpu.core_type<tc>, window_params = [{transform_indices = @transform_0, window_bounds = array<i64: 64, 16, 32>}, {pipeline_mode = #tpu.pipeline_mode<synchronous>, transform_indices = @transform_1, window_bounds = array<i64: 32, 32>}, {pipeline_mode = #tpu.pipeline_mode<synchronous>, transform_indices = @transform_2, window_bounds = array<i64: 8, 32>}, {pipeline_mode = #tpu.pipeline_mode<synchronous>, transform_indices = @transform_3, window_bounds = array<i64: 64, 8, 32>}, {pipeline_mode = #tpu.pipeline_mode<synchronous>, transform_indices = @transform_4, window_bounds = array<i64: 8, 32>}, {transform_indices = @transform_5, window_bounds = array<i64: 64, 16, 32>}, {transform_indices = @transform_6, window_bounds = array<i64: 1, 8, 32>}]} {
    %get3A = arith.constant 0 : index
    %get3A_0 = arith.constant 0 : index
    %get3A_1 = arith.constant 0 : index
    %get3A_2 = vector.load %arg4[%get3A, %get3A_0, %get3A_1] : memref<64x8x32xf32, #tpu.memory_space<vmem>>, vector<64x8x32xf32>
    %slice3A = vector.extract_strided_slice %get3A_2 {offsets = [0, 0, 0], sizes = [64, 1, 32], strides = [1, 1, 1]} : vector<64x8x32xf32> to vector<64x1x32xf32>
    %squeeze3A = vector.shape_cast %slice3A : vector<64x1x32xf32> to vector<64x32xf32>
    %reduce_sum3A = arith.constant dense<0.000000e+00> : vector<32xf32>
    %reduce_sum3A_3 = vector.multi_reduction <add>, %squeeze3A, %reduce_sum3A [0] : vector<64x32xf32> to vector<32xf32>
    %slice3A_4 = vector.extract_strided_slice %get3A_2 {offsets = [0, 1, 0], sizes = [64, 1, 32], strides = [1, 1, 1]} : vector<64x8x32xf32> to vector<64x1x32xf32>
    %squeeze3A_5 = vector.shape_cast %slice3A_4 : vector<64x1x32xf32> to vector<64x32xf32>
    %reduce_sum3A_6 = arith.constant dense<0.000000e+00> : vector<32xf32>
    %reduce_sum3A_7 = vector.multi_reduction <add>, %squeeze3A_5, %reduce_sum3A_6 [0] : vector<64x32xf32> to vector<32xf32>
    %mul3A = arith.constant 1.52587891E-5 : f32
    %mul3A_8 = vector.broadcast %mul3A : f32 to vector<32xf32>
    %mul3A_9 = arith.mulf %reduce_sum3A_3, %mul3A_8 : vector<32xf32>
    %mul3A_10 = arith.constant 1.52587891E-5 : f32
    %mul3A_11 = vector.broadcast %mul3A_10 : f32 to vector<32xf32>
    %mul3A_12 = arith.mulf %reduce_sum3A_7, %mul3A_11 : vector<32xf32>
    %mul3A_13 = arith.mulf %mul3A_9, %mul3A_9 : vector<32xf32>
    %sub3A = arith.subf %mul3A_12, %mul3A_13 : vector<32xf32>
    %get3A_14 = arith.constant 0 : index
    %get3A_15 = arith.constant 0 : index
    %get3A_16 = vector.load %arg5[%get3A_14, %get3A_15] : memref<8x32xf32, #tpu.memory_space<vmem>>, vector<1x32xf32>
    %get3A_17 = vector.shape_cast %get3A_16 : vector<1x32xf32> to vector<32xf32>
    %add3A = arith.constant 9.99999974E-6 : f32
    %add3A_18 = vector.broadcast %add3A : f32 to vector<32xf32>
    %add3A_19 = arith.addf %sub3A, %add3A_18 : vector<32xf32>
    %sqrt3A = math.sqrt %add3A_19 : vector<32xf32>
    %div3A = arith.divf %get3A_17, %sqrt3A : vector<32xf32>
    %get3A_20 = arith.constant 1 : index
    %get3A_21 = arith.constant 0 : index
    %get3A_22 = vector.load %arg5[%get3A_20, %get3A_21] : memref<8x32xf32, #tpu.memory_space<vmem>>, vector<1x32xf32>
    %get3A_23 = vector.shape_cast %get3A_22 : vector<1x32xf32> to vector<32xf32>
    %mul3A_24 = arith.mulf %mul3A_9, %div3A : vector<32xf32>
    %sub3A_25 = arith.subf %get3A_23, %mul3A_24 : vector<32xf32>
    %get3A_26 = arith.constant 0 : index
    %get3A_27 = arith.constant 0 : index
    %get3A_28 = arith.constant 0 : index
    %get3A_29 = vector.load %arg1[%get3A_26, %get3A_27, %get3A_28] : memref<64x16x32xf32, #tpu.memory_space<vmem>>, vector<64x16x32xf32>
    %reshape3A = vector.shape_cast %get3A_29 : vector<64x16x32xf32> to vector<1024x32xf32>
    %broadcast_in_dim3A = vector.shape_cast %div3A : vector<32xf32> to vector<1x32xf32>
    %mul3A_30 = vector.broadcast %broadcast_in_dim3A : vector<1x32xf32> to vector<1024x32xf32>
    %mul3A_31 = arith.mulf %reshape3A, %mul3A_30 : vector<1024x32xf32>
    %broadcast_in_dim3A_32 = vector.shape_cast %sub3A_25 : vector<32xf32> to vector<1x32xf32>
    %add3A_33 = vector.broadcast %broadcast_in_dim3A_32 : vector<1x32xf32> to vector<1024x32xf32>
    %add3A_34 = arith.addf %mul3A_31, %add3A_33 : vector<1024x32xf32>
    %max3A = arith.constant 0.000000e+00 : f32
    %max3A_35 = vector.broadcast %max3A : f32 to vector<1024x32xf32>
    %max3A_36 = arith.maximumf %add3A_34, %max3A_35 : vector<1024x32xf32>
    %get3A_37 = arith.constant 0 : index
    %get3A_38 = arith.constant 0 : index
    %get3A_39 = vector.load %arg2[%get3A_37, %get3A_38] : memref<32x32xf32, #tpu.memory_space<vmem>>, vector<32x32xf32>
    %dot_general3A = arith.constant dense<0.000000e+00> : vector<1024x32xf32>
    %dot_general3A_40 = tpu.matmul %max3A_36, %get3A_39, %dot_general3A {dimension_numbers = #tpu.dot_dimension_numbers<[1], [0], [0], [1], [0, 0, 1, 1], [], []>, transpose_lhs_hint = false} : vector<1024x32xf32>, vector<32x32xf32>, vector<1024x32xf32> -> vector<1024x32xf32>
    %get3A_41 = arith.constant 0 : index
    %get3A_42 = arith.constant 0 : index
    %get3A_43 = vector.load %arg3[%get3A_41, %get3A_42] : memref<8x32xf32, #tpu.memory_space<vmem>>, vector<1x32xf32>
    %add3A_44 = vector.broadcast %get3A_43 : vector<1x32xf32> to vector<1024x32xf32>
    %add3A_45 = arith.addf %dot_general3A_40, %add3A_44 : vector<1024x32xf32>
    %reshape3A_46 = vector.shape_cast %add3A_45 : vector<1024x32xf32> to vector<64x16x32xf32>
    %swap3A = arith.constant 0 : index
    %swap3A_47 = arith.constant 0 : index
    %swap3A_48 = arith.constant 0 : index
    %swap3A_49 = vector.load %arg6[%swap3A, %swap3A_47, %swap3A_48] : memref<64x16x32xf32, #tpu.memory_space<vmem>>, vector<64x16x32xf32>
    tpu.vector_store %arg6[%swap3A, %swap3A_47, %swap3A_48], %reshape3A_46 {strides = array<i32>} : memref<64x16x32xf32, #tpu.memory_space<vmem>>, vector<64x16x32xf32>,
    %reduce_sum3A_50 = arith.constant dense<0.000000e+00> : vector<32xf32>
    %reduce_sum3A_51 = vector.multi_reduction <add>, %add3A_45, %reduce_sum3A_50 [0] : vector<1024x32xf32> to vector<32xf32>
    %mul3A_52 = arith.mulf %add3A_45, %add3A_45 : vector<1024x32xf32>
    %reduce_sum3A_53 = arith.constant dense<0.000000e+00> : vector<32xf32>
    %reduce_sum3A_54 = vector.multi_reduction <add>, %mul3A_52, %reduce_sum3A_53 [0] : vector<1024x32xf32> to vector<32xf32>
    %broadcast_in_dim3A_55 = vector.shape_cast %reduce_sum3A_51 : vector<32xf32> to vector<1x32xf32>
    %broadcast_in_dim3A_56 = vector.shape_cast %reduce_sum3A_54 : vector<32xf32> to vector<1x32xf32>
    %broadcast_in_dim3A_57 = arith.constant 0.000000e+00 : f32
    %broadcast_in_dim3A_58 = vector.broadcast %broadcast_in_dim3A_57 : f32 to vector<6x32xf32>
    %concatenate3A = tpu.concatenate %broadcast_in_dim3A_55, %broadcast_in_dim3A_56, %broadcast_in_dim3A_58 in 0 : vector<1x32xf32>, vector<1x32xf32>, vector<6x32xf32> -> vector<8x32xf32>
    %swap3A_59 = arith.constant 0 : index
    %swap3A_60 = arith.constant 0 : index
    %swap3A_61 = arith.constant 0 : index
    %swap3A_62 = vector.load %arg7[%swap3A_59, %swap3A_60, %swap3A_61] : memref<1x8x32xf32, #tpu.memory_space<vmem>>, vector<1x8x32xf32>
    %swap3A_63 = vector.shape_cast %swap3A_62 : vector<1x8x32xf32> to vector<8x32xf32>
    %swap3A_64 = vector.shape_cast %concatenate3A : vector<8x32xf32> to vector<1x8x32xf32>
    tpu.vector_store %arg7[%swap3A_59, %swap3A_60, %swap3A_61], %swap3A_64 {strides = array<i32>} : memref<1x8x32xf32, #tpu.memory_space<vmem>>, vector<1x8x32xf32>,
    return
  }
  func.func @transform_0(%arg0: i32) -> (i32, i32, i32) {
    %c0_i32 = arith.constant 0 : i32
    %c0_i32_0 = arith.constant 0 : i32
    %c0_i32_1 = arith.constant 0 : i32
    return %arg0, %c0_i32, %c0_i32_0 : i32, i32, i32
  }
  func.func @transform_1(%arg0: i32) -> (i32, i32) {
    %c0_i32 = arith.constant 0 : i32
    %c0_i32_0 = arith.constant 0 : i32
    %c0_i32_1 = arith.constant 0 : i32
    return %c0_i32, %c0_i32_0 : i32, i32
  }
  func.func @transform_2(%arg0: i32) -> (i32, i32) {
    %c0_i32 = arith.constant 0 : i32
    %c0_i32_0 = arith.constant 0 : i32
    %c0_i32_1 = arith.constant 0 : i32
    return %c0_i32, %c0_i32_0 : i32, i32
  }
  func.func @transform_3(%arg0: i32) -> (i32, i32, i32) {
    %c0_i32 = arith.constant 0 : i32
    %c0_i32_0 = arith.constant 0 : i32
    %c0_i32_1 = arith.constant 0 : i32
    %c0_i32_2 = arith.constant 0 : i32
    return %c0_i32, %c0_i32_0, %c0_i32_1 : i32, i32, i32
  }
  func.func @transform_4(%arg0: i32) -> (i32, i32) {
    %c0_i32 = arith.constant 0 : i32
    %c0_i32_0 = arith.constant 0 : i32
    %c0_i32_1 = arith.constant 0 : i32
    return %c0_i32, %c0_i32_0 : i32, i32
  }
  func.func @transform_5(%arg0: i32) -> (i32, i32, i32) {
    %c0_i32 = arith.constant 0 : i32
    %c0_i32_0 = arith.constant 0 : i32
    %c0_i32_1 = arith.constant 0 : i32
    return %arg0, %c0_i32, %c0_i32_0 : i32, i32, i32
  }
  func.func @transform_6(%arg0: i32) -> (i32, i32, i32) {
    %c0_i32 = arith.constant 0 : i32
    %c0_i32_0 = arith.constant 0 : i32
    %c0_i32_1 = arith.constant 0 : i32
    return %arg0, %c0_i32, %c0_i32_0 : i32, i32, i32
  }
}

module attributes {stable_mosaic.version = 14 : i64} {
  func.func @_mlp_layer_body(%arg0: i32, %arg1: memref<64x16x32xf32, #tpu.memory_space<vmem>>, %arg2: memref<32x64xf32, #tpu.memory_space<vmem>>, %arg3: memref<8x64xf32, #tpu.memory_space<vmem>>, %arg4: memref<64x8x32xf32, #tpu.memory_space<vmem>>, %arg5: memref<8x32xf32, #tpu.memory_space<vmem>>, %arg6: memref<64x16x64xf32, #tpu.memory_space<vmem>>, %arg7: memref<1x8x64xf32, #tpu.memory_space<vmem>>) attributes {dimension_semantics = [#tpu.dimension_semantics<arbitrary>], iteration_bounds = array<i64: 64>, scalar_prefetch = 0 : i64, scratch_operands = 0 : i64, tpu.core_type = #tpu.core_type<tc>, window_params = [{transform_indices = @transform_0, window_bounds = array<i64: 64, 16, 32>}, {pipeline_mode = #tpu.pipeline_mode<synchronous>, transform_indices = @transform_1, window_bounds = array<i64: 32, 64>}, {pipeline_mode = #tpu.pipeline_mode<synchronous>, transform_indices = @transform_2, window_bounds = array<i64: 8, 64>}, {pipeline_mode = #tpu.pipeline_mode<synchronous>, transform_indices = @transform_3, window_bounds = array<i64: 64, 8, 32>}, {pipeline_mode = #tpu.pipeline_mode<synchronous>, transform_indices = @transform_4, window_bounds = array<i64: 8, 32>}, {transform_indices = @transform_5, window_bounds = array<i64: 64, 16, 64>}, {transform_indices = @transform_6, window_bounds = array<i64: 1, 8, 64>}]} {
    %get3A = arith.constant 0 : index
    %get3A_0 = arith.constant 0 : index
    %get3A_1 = arith.constant 0 : index
    %get3A_2 = vector.load %arg4[%get3A, %get3A_0, %get3A_1] : memref<64x8x32xf32, #tpu.memory_space<vmem>>, vector<64x8x32xf32>
    %slice3A = vector.extract_strided_slice %get3A_2 {offsets = [0, 0, 0], sizes = [64, 1, 32], strides = [1, 1, 1]} : vector<64x8x32xf32> to vector<64x1x32xf32>
    %squeeze3A = vector.shape_cast %slice3A : vector<64x1x32xf32> to vector<64x32xf32>
    %reduce_sum3A = arith.constant dense<0.000000e+00> : vector<32xf32>
    %reduce_sum3A_3 = vector.multi_reduction <add>, %squeeze3A, %reduce_sum3A [0] : vector<64x32xf32> to vector<32xf32>
    %slice3A_4 = vector.extract_strided_slice %get3A_2 {offsets = [0, 1, 0], sizes = [64, 1, 32], strides = [1, 1, 1]} : vector<64x8x32xf32> to vector<64x1x32xf32>
    %squeeze3A_5 = vector.shape_cast %slice3A_4 : vector<64x1x32xf32> to vector<64x32xf32>
    %reduce_sum3A_6 = arith.constant dense<0.000000e+00> : vector<32xf32>
    %reduce_sum3A_7 = vector.multi_reduction <add>, %squeeze3A_5, %reduce_sum3A_6 [0] : vector<64x32xf32> to vector<32xf32>
    %mul3A = arith.constant 1.52587891E-5 : f32
    %mul3A_8 = vector.broadcast %mul3A : f32 to vector<32xf32>
    %mul3A_9 = arith.mulf %reduce_sum3A_3, %mul3A_8 : vector<32xf32>
    %mul3A_10 = arith.constant 1.52587891E-5 : f32
    %mul3A_11 = vector.broadcast %mul3A_10 : f32 to vector<32xf32>
    %mul3A_12 = arith.mulf %reduce_sum3A_7, %mul3A_11 : vector<32xf32>
    %mul3A_13 = arith.mulf %mul3A_9, %mul3A_9 : vector<32xf32>
    %sub3A = arith.subf %mul3A_12, %mul3A_13 : vector<32xf32>
    %get3A_14 = arith.constant 0 : index
    %get3A_15 = arith.constant 0 : index
    %get3A_16 = vector.load %arg5[%get3A_14, %get3A_15] : memref<8x32xf32, #tpu.memory_space<vmem>>, vector<1x32xf32>
    %get3A_17 = vector.shape_cast %get3A_16 : vector<1x32xf32> to vector<32xf32>
    %add3A = arith.constant 9.99999974E-6 : f32
    %add3A_18 = vector.broadcast %add3A : f32 to vector<32xf32>
    %add3A_19 = arith.addf %sub3A, %add3A_18 : vector<32xf32>
    %sqrt3A = math.sqrt %add3A_19 : vector<32xf32>
    %div3A = arith.divf %get3A_17, %sqrt3A : vector<32xf32>
    %get3A_20 = arith.constant 1 : index
    %get3A_21 = arith.constant 0 : index
    %get3A_22 = vector.load %arg5[%get3A_20, %get3A_21] : memref<8x32xf32, #tpu.memory_space<vmem>>, vector<1x32xf32>
    %get3A_23 = vector.shape_cast %get3A_22 : vector<1x32xf32> to vector<32xf32>
    %mul3A_24 = arith.mulf %mul3A_9, %div3A : vector<32xf32>
    %sub3A_25 = arith.subf %get3A_23, %mul3A_24 : vector<32xf32>
    %get3A_26 = arith.constant 0 : index
    %get3A_27 = arith.constant 0 : index
    %get3A_28 = arith.constant 0 : index
    %get3A_29 = vector.load %arg1[%get3A_26, %get3A_27, %get3A_28] : memref<64x16x32xf32, #tpu.memory_space<vmem>>, vector<64x16x32xf32>
    %reshape3A = vector.shape_cast %get3A_29 : vector<64x16x32xf32> to vector<1024x32xf32>
    %broadcast_in_dim3A = vector.shape_cast %div3A : vector<32xf32> to vector<1x32xf32>
    %mul3A_30 = vector.broadcast %broadcast_in_dim3A : vector<1x32xf32> to vector<1024x32xf32>
    %mul3A_31 = arith.mulf %reshape3A, %mul3A_30 : vector<1024x32xf32>
    %broadcast_in_dim3A_32 = vector.shape_cast %sub3A_25 : vector<32xf32> to vector<1x32xf32>
    %add3A_33 = vector.broadcast %broadcast_in_dim3A_32 : vector<1x32xf32> to vector<1024x32xf32>
    %add3A_34 = arith.addf %mul3A_31, %add3A_33 : vector<1024x32xf32>
    %max3A = arith.constant 0.000000e+00 : f32
    %max3A_35 = vector.broadcast %max3A : f32 to vector<1024x32xf32>
    %max3A_36 = arith.maximumf %add3A_34, %max3A_35 : vector<1024x32xf32>
    %get3A_37 = arith.constant 0 : index
    %get3A_38 = arith.constant 0 : index
    %get3A_39 = vector.load %arg2[%get3A_37, %get3A_38] : memref<32x64xf32, #tpu.memory_space<vmem>>, vector<32x64xf32>
    %dot_general3A = arith.constant dense<0.000000e+00> : vector<1024x64xf32>
    %dot_general3A_40 = tpu.matmul %max3A_36, %get3A_39, %dot_general3A {dimension_numbers = #tpu.dot_dimension_numbers<[1], [0], [0], [1], [0, 0, 1, 1], [], []>, transpose_lhs_hint = false} : vector<1024x32xf32>, vector<32x64xf32>, vector<1024x64xf32> -> vector<1024x64xf32>
    %get3A_41 = arith.constant 0 : index
    %get3A_42 = arith.constant 0 : index
    %get3A_43 = vector.load %arg3[%get3A_41, %get3A_42] : memref<8x64xf32, #tpu.memory_space<vmem>>, vector<1x64xf32>
    %add3A_44 = vector.broadcast %get3A_43 : vector<1x64xf32> to vector<1024x64xf32>
    %add3A_45 = arith.addf %dot_general3A_40, %add3A_44 : vector<1024x64xf32>
    %reshape3A_46 = vector.shape_cast %add3A_45 : vector<1024x64xf32> to vector<64x16x64xf32>
    %swap3A = arith.constant 0 : index
    %swap3A_47 = arith.constant 0 : index
    %swap3A_48 = arith.constant 0 : index
    %swap3A_49 = vector.load %arg6[%swap3A, %swap3A_47, %swap3A_48] : memref<64x16x64xf32, #tpu.memory_space<vmem>>, vector<64x16x64xf32>
    tpu.vector_store %arg6[%swap3A, %swap3A_47, %swap3A_48], %reshape3A_46 {strides = array<i32>} : memref<64x16x64xf32, #tpu.memory_space<vmem>>, vector<64x16x64xf32>,
    %reduce_sum3A_50 = arith.constant dense<0.000000e+00> : vector<64xf32>
    %reduce_sum3A_51 = vector.multi_reduction <add>, %add3A_45, %reduce_sum3A_50 [0] : vector<1024x64xf32> to vector<64xf32>
    %mul3A_52 = arith.mulf %add3A_45, %add3A_45 : vector<1024x64xf32>
    %reduce_sum3A_53 = arith.constant dense<0.000000e+00> : vector<64xf32>
    %reduce_sum3A_54 = vector.multi_reduction <add>, %mul3A_52, %reduce_sum3A_53 [0] : vector<1024x64xf32> to vector<64xf32>
    %broadcast_in_dim3A_55 = vector.shape_cast %reduce_sum3A_51 : vector<64xf32> to vector<1x64xf32>
    %broadcast_in_dim3A_56 = vector.shape_cast %reduce_sum3A_54 : vector<64xf32> to vector<1x64xf32>
    %broadcast_in_dim3A_57 = arith.constant 0.000000e+00 : f32
    %broadcast_in_dim3A_58 = vector.broadcast %broadcast_in_dim3A_57 : f32 to vector<6x64xf32>
    %concatenate3A = tpu.concatenate %broadcast_in_dim3A_55, %broadcast_in_dim3A_56, %broadcast_in_dim3A_58 in 0 : vector<1x64xf32>, vector<1x64xf32>, vector<6x64xf32> -> vector<8x64xf32>
    %swap3A_59 = arith.constant 0 : index
    %swap3A_60 = arith.constant 0 : index
    %swap3A_61 = arith.constant 0 : index
    %swap3A_62 = vector.load %arg7[%swap3A_59, %swap3A_60, %swap3A_61] : memref<1x8x64xf32, #tpu.memory_space<vmem>>, vector<1x8x64xf32>
    %swap3A_63 = vector.shape_cast %swap3A_62 : vector<1x8x64xf32> to vector<8x64xf32>
    %swap3A_64 = vector.shape_cast %concatenate3A : vector<8x64xf32> to vector<1x8x64xf32>
    tpu.vector_store %arg7[%swap3A_59, %swap3A_60, %swap3A_61], %swap3A_64 {strides = array<i32>} : memref<1x8x64xf32, #tpu.memory_space<vmem>>, vector<1x8x64xf32>,
    return
  }
  func.func @transform_0(%arg0: i32) -> (i32, i32, i32) {
    %c0_i32 = arith.constant 0 : i32
    %c0_i32_0 = arith.constant 0 : i32
    %c0_i32_1 = arith.constant 0 : i32
    return %arg0, %c0_i32, %c0_i32_0 : i32, i32, i32
  }
  func.func @transform_1(%arg0: i32) -> (i32, i32) {
    %c0_i32 = arith.constant 0 : i32
    %c0_i32_0 = arith.constant 0 : i32
    %c0_i32_1 = arith.constant 0 : i32
    return %c0_i32, %c0_i32_0 : i32, i32
  }
  func.func @transform_2(%arg0: i32) -> (i32, i32) {
    %c0_i32 = arith.constant 0 : i32
    %c0_i32_0 = arith.constant 0 : i32
    %c0_i32_1 = arith.constant 0 : i32
    return %c0_i32, %c0_i32_0 : i32, i32
  }
  func.func @transform_3(%arg0: i32) -> (i32, i32, i32) {
    %c0_i32 = arith.constant 0 : i32
    %c0_i32_0 = arith.constant 0 : i32
    %c0_i32_1 = arith.constant 0 : i32
    %c0_i32_2 = arith.constant 0 : i32
    return %c0_i32, %c0_i32_0, %c0_i32_1 : i32, i32, i32
  }
  func.func @transform_4(%arg0: i32) -> (i32, i32) {
    %c0_i32 = arith.constant 0 : i32
    %c0_i32_0 = arith.constant 0 : i32
    %c0_i32_1 = arith.constant 0 : i32
    return %c0_i32, %c0_i32_0 : i32, i32
  }
  func.func @transform_5(%arg0: i32) -> (i32, i32, i32) {
    %c0_i32 = arith.constant 0 : i32
    %c0_i32_0 = arith.constant 0 : i32
    %c0_i32_1 = arith.constant 0 : i32
    return %arg0, %c0_i32, %c0_i32_0 : i32, i32, i32
  }
  func.func @transform_6(%arg0: i32) -> (i32, i32, i32) {
    %c0_i32 = arith.constant 0 : i32
    %c0_i32_0 = arith.constant 0 : i32
    %c0_i32_1 = arith.constant 0 : i32
    return %arg0, %c0_i32, %c0_i32_0 : i32, i32, i32
  }
}

module attributes {stable_mosaic.version = 14 : i64} {
  func.func @_mlp_final_body(%arg0: i32, %arg1: memref<64x16x64xf32, #tpu.memory_space<vmem>>, %arg2: memref<64x8x64xf32, #tpu.memory_space<vmem>>, %arg3: memref<8x64xf32, #tpu.memory_space<vmem>>, %arg4: memref<64x64xf32, #tpu.memory_space<vmem>>) attributes {dimension_semantics = [#tpu.dimension_semantics<arbitrary>], iteration_bounds = array<i64: 64>, scalar_prefetch = 0 : i64, scratch_operands = 0 : i64, tpu.core_type = #tpu.core_type<tc>, window_params = [{transform_indices = @transform_0, window_bounds = array<i64: 64, 16, 64>}, {pipeline_mode = #tpu.pipeline_mode<synchronous>, transform_indices = @transform_1, window_bounds = array<i64: 64, 8, 64>}, {pipeline_mode = #tpu.pipeline_mode<synchronous>, transform_indices = @transform_2, window_bounds = array<i64: 8, 64>}, {transform_indices = @transform_3, window_bounds = array<i64: 64, 64>}]} {
    %get3A = arith.constant 0 : index
    %get3A_0 = arith.constant 0 : index
    %get3A_1 = arith.constant 0 : index
    %get3A_2 = vector.load %arg2[%get3A, %get3A_0, %get3A_1] : memref<64x8x64xf32, #tpu.memory_space<vmem>>, vector<64x8x64xf32>
    %slice3A = vector.extract_strided_slice %get3A_2 {offsets = [0, 0, 0], sizes = [64, 1, 64], strides = [1, 1, 1]} : vector<64x8x64xf32> to vector<64x1x64xf32>
    %squeeze3A = vector.shape_cast %slice3A : vector<64x1x64xf32> to vector<64x64xf32>
    %reduce_sum3A = arith.constant dense<0.000000e+00> : vector<64xf32>
    %reduce_sum3A_3 = vector.multi_reduction <add>, %squeeze3A, %reduce_sum3A [0] : vector<64x64xf32> to vector<64xf32>
    %slice3A_4 = vector.extract_strided_slice %get3A_2 {offsets = [0, 1, 0], sizes = [64, 1, 64], strides = [1, 1, 1]} : vector<64x8x64xf32> to vector<64x1x64xf32>
    %squeeze3A_5 = vector.shape_cast %slice3A_4 : vector<64x1x64xf32> to vector<64x64xf32>
    %reduce_sum3A_6 = arith.constant dense<0.000000e+00> : vector<64xf32>
    %reduce_sum3A_7 = vector.multi_reduction <add>, %squeeze3A_5, %reduce_sum3A_6 [0] : vector<64x64xf32> to vector<64xf32>
    %mul3A = arith.constant 1.52587891E-5 : f32
    %mul3A_8 = vector.broadcast %mul3A : f32 to vector<64xf32>
    %mul3A_9 = arith.mulf %reduce_sum3A_3, %mul3A_8 : vector<64xf32>
    %mul3A_10 = arith.constant 1.52587891E-5 : f32
    %mul3A_11 = vector.broadcast %mul3A_10 : f32 to vector<64xf32>
    %mul3A_12 = arith.mulf %reduce_sum3A_7, %mul3A_11 : vector<64xf32>
    %mul3A_13 = arith.mulf %mul3A_9, %mul3A_9 : vector<64xf32>
    %sub3A = arith.subf %mul3A_12, %mul3A_13 : vector<64xf32>
    %get3A_14 = arith.constant 0 : index
    %get3A_15 = arith.constant 0 : index
    %get3A_16 = vector.load %arg3[%get3A_14, %get3A_15] : memref<8x64xf32, #tpu.memory_space<vmem>>, vector<1x64xf32>
    %get3A_17 = vector.shape_cast %get3A_16 : vector<1x64xf32> to vector<64xf32>
    %add3A = arith.constant 9.99999974E-6 : f32
    %add3A_18 = vector.broadcast %add3A : f32 to vector<64xf32>
    %add3A_19 = arith.addf %sub3A, %add3A_18 : vector<64xf32>
    %sqrt3A = math.sqrt %add3A_19 : vector<64xf32>
    %div3A = arith.divf %get3A_17, %sqrt3A : vector<64xf32>
    %get3A_20 = arith.constant 1 : index
    %get3A_21 = arith.constant 0 : index
    %get3A_22 = vector.load %arg3[%get3A_20, %get3A_21] : memref<8x64xf32, #tpu.memory_space<vmem>>, vector<1x64xf32>
    %get3A_23 = vector.shape_cast %get3A_22 : vector<1x64xf32> to vector<64xf32>
    %mul3A_24 = arith.mulf %mul3A_9, %div3A : vector<64xf32>
    %sub3A_25 = arith.subf %get3A_23, %mul3A_24 : vector<64xf32>
    %get3A_26 = arith.constant 0 : index
    %get3A_27 = arith.constant 0 : index
    %get3A_28 = arith.constant 0 : index
    %get3A_29 = vector.load %arg1[%get3A_26, %get3A_27, %get3A_28] : memref<64x16x64xf32, #tpu.memory_space<vmem>>, vector<64x16x64xf32>
    %broadcast_in_dim3A = vector.shape_cast %div3A : vector<64xf32> to vector<1x1x64xf32>
    %mul3A_30 = vector.broadcast %broadcast_in_dim3A : vector<1x1x64xf32> to vector<64x16x64xf32>
    %mul3A_31 = arith.mulf %get3A_29, %mul3A_30 : vector<64x16x64xf32>
    %broadcast_in_dim3A_32 = vector.shape_cast %sub3A_25 : vector<64xf32> to vector<1x1x64xf32>
    %add3A_33 = vector.broadcast %broadcast_in_dim3A_32 : vector<1x1x64xf32> to vector<64x16x64xf32>
    %add3A_34 = arith.addf %mul3A_31, %add3A_33 : vector<64x16x64xf32>
    %max3A = arith.constant 0.000000e+00 : f32
    %max3A_35 = vector.broadcast %max3A : f32 to vector<64x16x64xf32>
    %max3A_36 = arith.maximumf %add3A_34, %max3A_35 : vector<64x16x64xf32>
    %reduce_max3A = arith.constant dense<0xFF800000> : vector<64x64xf32>
    %reduce_max3A_37 = vector.multi_reduction <maximumf>, %max3A_36, %reduce_max3A [1] : vector<64x16x64xf32> to vector<64x64xf32>
    %swap3A = arith.constant 0 : index
    %swap3A_38 = arith.constant 0 : index
    %swap3A_39 = vector.load %arg4[%swap3A, %swap3A_38] : memref<64x64xf32, #tpu.memory_space<vmem>>, vector<64x64xf32>
    tpu.vector_store %arg4[%swap3A, %swap3A_38], %reduce_max3A_37 {strides = array<i32>} : memref<64x64xf32, #tpu.memory_space<vmem>>, vector<64x64xf32>,
    return
  }
  func.func @transform_0(%arg0: i32) -> (i32, i32, i32) {
    %c0_i32 = arith.constant 0 : i32
    %c0_i32_0 = arith.constant 0 : i32
    %c0_i32_1 = arith.constant 0 : i32
    return %arg0, %c0_i32, %c0_i32_0 : i32, i32, i32
  }
  func.func @transform_1(%arg0: i32) -> (i32, i32, i32) {
    %c0_i32 = arith.constant 0 : i32
    %c0_i32_0 = arith.constant 0 : i32
    %c0_i32_1 = arith.constant 0 : i32
    %c0_i32_2 = arith.constant 0 : i32
    return %c0_i32, %c0_i32_0, %c0_i32_1 : i32, i32, i32
  }
  func.func @transform_2(%arg0: i32) -> (i32, i32) {
    %c0_i32 = arith.constant 0 : i32
    %c0_i32_0 = arith.constant 0 : i32
    %c0_i32_1 = arith.constant 0 : i32
    return %c0_i32, %c0_i32_0 : i32, i32
  }
  func.func @transform_3(%arg0: i32) -> (i32, i32) {
    %c0_i32 = arith.constant 0 : i32
    %c0_i32_0 = arith.constant 0 : i32
    return %arg0, %c0_i32 : i32, i32
  }
}

module attributes {stable_mosaic.version = 14 : i64} {
  func.func @_mlp_layer_body(%arg0: i32, %arg1: memref<32x32x16xf32, #tpu.memory_space<vmem>>, %arg2: memref<16x64xf32, #tpu.memory_space<vmem>>, %arg3: memref<8x64xf32, #tpu.memory_space<vmem>>, %arg4: memref<32x16xf32, #tpu.memory_space<vmem>>, %arg5: memref<8x16xf32, #tpu.memory_space<vmem>>, %arg6: memref<32x32x64xf32, #tpu.memory_space<vmem>>, %arg7: memref<1x8x64xf32, #tpu.memory_space<vmem>>) attributes {dimension_semantics = [#tpu.dimension_semantics<arbitrary>], iteration_bounds = array<i64: 128>, scalar_prefetch = 0 : i64, scratch_operands = 0 : i64, tpu.core_type = #tpu.core_type<tc>, window_params = [{transform_indices = @transform_0, window_bounds = array<i64: 32, 32, 16>}, {pipeline_mode = #tpu.pipeline_mode<synchronous>, transform_indices = @transform_1, window_bounds = array<i64: 16, 64>}, {pipeline_mode = #tpu.pipeline_mode<synchronous>, transform_indices = @transform_2, window_bounds = array<i64: 8, 64>}, {transform_indices = @transform_3, window_bounds = array<i64: 32, 16>}, {pipeline_mode = #tpu.pipeline_mode<synchronous>, transform_indices = @transform_4, window_bounds = array<i64: 8, 16>}, {transform_indices = @transform_5, window_bounds = array<i64: 32, 32, 64>}, {transform_indices = @transform_6, window_bounds = array<i64: 1, 8, 64>}]} {
    %get3A = arith.constant 0 : index
    %get3A_0 = arith.constant 0 : index
    %get3A_1 = vector.load %arg4[%get3A, %get3A_0] : memref<32x16xf32, #tpu.memory_space<vmem>>, vector<32x16xf32>
    %get3A_2 = arith.constant 0 : index
    %get3A_3 = arith.constant 0 : index
    %get3A_4 = arith.constant 0 : index
    %get3A_5 = vector.load %arg1[%get3A_2, %get3A_3, %get3A_4] : memref<32x32x16xf32, #tpu.memory_space<vmem>>, vector<32x32x16xf32>
    %broadcast_in_dim3A = vector.shape_cast %get3A_1 : vector<32x16xf32> to vector<32x1x16xf32>
    %sub3A = vector.broadcast %broadcast_in_dim3A : vector<32x1x16xf32> to vector<32x32x16xf32>
    %sub3A_6 = arith.subf %get3A_5, %sub3A : vector<32x32x16xf32>
    %reshape3A = vector.shape_cast %sub3A_6 : vector<32x32x16xf32> to vector<1024x16xf32>
    %get3A_7 = arith.constant 0 : index
    %get3A_8 = arith.constant 0 : index
    %get3A_9 = vector.load %arg2[%get3A_7, %get3A_8] : memref<16x64xf32, #tpu.memory_space<vmem>>, vector<16x64xf32>
    %dot_general3A = arith.constant dense<0.000000e+00> : vector<1024x64xf32>
    %dot_general3A_10 = tpu.matmul %reshape3A, %get3A_9, %dot_general3A {dimension_numbers = #tpu.dot_dimension_numbers<[1], [0], [0], [1], [0, 0, 1, 1], [], []>, transpose_lhs_hint = false} : vector<1024x16xf32>, vector<16x64xf32>, vector<1024x64xf32> -> vector<1024x64xf32>
    %get3A_11 = arith.constant 0 : index
    %get3A_12 = arith.constant 0 : index
    %get3A_13 = vector.load %arg3[%get3A_11, %get3A_12] : memref<8x64xf32, #tpu.memory_space<vmem>>, vector<1x64xf32>
    %add3A = vector.broadcast %get3A_13 : vector<1x64xf32> to vector<1024x64xf32>
    %add3A_14 = arith.addf %dot_general3A_10, %add3A : vector<1024x64xf32>
    %reshape3A_15 = vector.shape_cast %add3A_14 : vector<1024x64xf32> to vector<32x32x64xf32>
    %swap3A = arith.constant 0 : index
    %swap3A_16 = arith.constant 0 : index
    %swap3A_17 = arith.constant 0 : index
    %swap3A_18 = vector.load %arg6[%swap3A, %swap3A_16, %swap3A_17] : memref<32x32x64xf32, #tpu.memory_space<vmem>>, vector<32x32x64xf32>
    tpu.vector_store %arg6[%swap3A, %swap3A_16, %swap3A_17], %reshape3A_15 {strides = array<i32>} : memref<32x32x64xf32, #tpu.memory_space<vmem>>, vector<32x32x64xf32>,
    %reduce_sum3A = arith.constant dense<0.000000e+00> : vector<64xf32>
    %reduce_sum3A_19 = vector.multi_reduction <add>, %add3A_14, %reduce_sum3A [0] : vector<1024x64xf32> to vector<64xf32>
    %mul3A = arith.mulf %add3A_14, %add3A_14 : vector<1024x64xf32>
    %reduce_sum3A_20 = arith.constant dense<0.000000e+00> : vector<64xf32>
    %reduce_sum3A_21 = vector.multi_reduction <add>, %mul3A, %reduce_sum3A_20 [0] : vector<1024x64xf32> to vector<64xf32>
    %broadcast_in_dim3A_22 = vector.shape_cast %reduce_sum3A_19 : vector<64xf32> to vector<1x64xf32>
    %broadcast_in_dim3A_23 = vector.shape_cast %reduce_sum3A_21 : vector<64xf32> to vector<1x64xf32>
    %broadcast_in_dim3A_24 = arith.constant 0.000000e+00 : f32
    %broadcast_in_dim3A_25 = vector.broadcast %broadcast_in_dim3A_24 : f32 to vector<6x64xf32>
    %concatenate3A = tpu.concatenate %broadcast_in_dim3A_22, %broadcast_in_dim3A_23, %broadcast_in_dim3A_25 in 0 : vector<1x64xf32>, vector<1x64xf32>, vector<6x64xf32> -> vector<8x64xf32>
    %swap3A_26 = arith.constant 0 : index
    %swap3A_27 = arith.constant 0 : index
    %swap3A_28 = arith.constant 0 : index
    %swap3A_29 = vector.load %arg7[%swap3A_26, %swap3A_27, %swap3A_28] : memref<1x8x64xf32, #tpu.memory_space<vmem>>, vector<1x8x64xf32>
    %swap3A_30 = vector.shape_cast %swap3A_29 : vector<1x8x64xf32> to vector<8x64xf32>
    %swap3A_31 = vector.shape_cast %concatenate3A : vector<8x64xf32> to vector<1x8x64xf32>
    tpu.vector_store %arg7[%swap3A_26, %swap3A_27, %swap3A_28], %swap3A_31 {strides = array<i32>} : memref<1x8x64xf32, #tpu.memory_space<vmem>>, vector<1x8x64xf32>,
    return
  }
  func.func @transform_0(%arg0: i32) -> (i32, i32, i32) {
    %c0_i32 = arith.constant 0 : i32
    %c0_i32_0 = arith.constant 0 : i32
    %c0_i32_1 = arith.constant 0 : i32
    return %arg0, %c0_i32, %c0_i32_0 : i32, i32, i32
  }
  func.func @transform_1(%arg0: i32) -> (i32, i32) {
    %c0_i32 = arith.constant 0 : i32
    %c0_i32_0 = arith.constant 0 : i32
    %c0_i32_1 = arith.constant 0 : i32
    return %c0_i32, %c0_i32_0 : i32, i32
  }
  func.func @transform_2(%arg0: i32) -> (i32, i32) {
    %c0_i32 = arith.constant 0 : i32
    %c0_i32_0 = arith.constant 0 : i32
    %c0_i32_1 = arith.constant 0 : i32
    return %c0_i32, %c0_i32_0 : i32, i32
  }
  func.func @transform_3(%arg0: i32) -> (i32, i32) {
    %c0_i32 = arith.constant 0 : i32
    %c0_i32_0 = arith.constant 0 : i32
    return %arg0, %c0_i32 : i32, i32
  }
  func.func @transform_4(%arg0: i32) -> (i32, i32) {
    %c0_i32 = arith.constant 0 : i32
    %c0_i32_0 = arith.constant 0 : i32
    %c0_i32_1 = arith.constant 0 : i32
    return %c0_i32, %c0_i32_0 : i32, i32
  }
  func.func @transform_5(%arg0: i32) -> (i32, i32, i32) {
    %c0_i32 = arith.constant 0 : i32
    %c0_i32_0 = arith.constant 0 : i32
    %c0_i32_1 = arith.constant 0 : i32
    return %arg0, %c0_i32, %c0_i32_0 : i32, i32, i32
  }
  func.func @transform_6(%arg0: i32) -> (i32, i32, i32) {
    %c0_i32 = arith.constant 0 : i32
    %c0_i32_0 = arith.constant 0 : i32
    %c0_i32_1 = arith.constant 0 : i32
    return %arg0, %c0_i32, %c0_i32_0 : i32, i32, i32
  }
}

module attributes {stable_mosaic.version = 14 : i64} {
  func.func @_mlp_layer_body(%arg0: i32, %arg1: memref<32x32x64xf32, #tpu.memory_space<vmem>>, %arg2: memref<64x64xf32, #tpu.memory_space<vmem>>, %arg3: memref<8x64xf32, #tpu.memory_space<vmem>>, %arg4: memref<128x8x64xf32, #tpu.memory_space<vmem>>, %arg5: memref<8x64xf32, #tpu.memory_space<vmem>>, %arg6: memref<32x32x64xf32, #tpu.memory_space<vmem>>, %arg7: memref<1x8x64xf32, #tpu.memory_space<vmem>>) attributes {dimension_semantics = [#tpu.dimension_semantics<arbitrary>], iteration_bounds = array<i64: 128>, scalar_prefetch = 0 : i64, scratch_operands = 0 : i64, tpu.core_type = #tpu.core_type<tc>, window_params = [{transform_indices = @transform_0, window_bounds = array<i64: 32, 32, 64>}, {pipeline_mode = #tpu.pipeline_mode<synchronous>, transform_indices = @transform_1, window_bounds = array<i64: 64, 64>}, {pipeline_mode = #tpu.pipeline_mode<synchronous>, transform_indices = @transform_2, window_bounds = array<i64: 8, 64>}, {pipeline_mode = #tpu.pipeline_mode<synchronous>, transform_indices = @transform_3, window_bounds = array<i64: 128, 8, 64>}, {pipeline_mode = #tpu.pipeline_mode<synchronous>, transform_indices = @transform_4, window_bounds = array<i64: 8, 64>}, {transform_indices = @transform_5, window_bounds = array<i64: 32, 32, 64>}, {transform_indices = @transform_6, window_bounds = array<i64: 1, 8, 64>}]} {
    %get3A = arith.constant 0 : index
    %get3A_0 = arith.constant 0 : index
    %get3A_1 = arith.constant 0 : index
    %get3A_2 = vector.load %arg4[%get3A, %get3A_0, %get3A_1] : memref<128x8x64xf32, #tpu.memory_space<vmem>>, vector<128x8x64xf32>
    %slice3A = vector.extract_strided_slice %get3A_2 {offsets = [0, 0, 0], sizes = [128, 1, 64], strides = [1, 1, 1]} : vector<128x8x64xf32> to vector<128x1x64xf32>
    %squeeze3A = vector.shape_cast %slice3A : vector<128x1x64xf32> to vector<128x64xf32>
    %reduce_sum3A = arith.constant dense<0.000000e+00> : vector<64xf32>
    %reduce_sum3A_3 = vector.multi_reduction <add>, %squeeze3A, %reduce_sum3A [0] : vector<128x64xf32> to vector<64xf32>
    %slice3A_4 = vector.extract_strided_slice %get3A_2 {offsets = [0, 1, 0], sizes = [128, 1, 64], strides = [1, 1, 1]} : vector<128x8x64xf32> to vector<128x1x64xf32>
    %squeeze3A_5 = vector.shape_cast %slice3A_4 : vector<128x1x64xf32> to vector<128x64xf32>
    %reduce_sum3A_6 = arith.constant dense<0.000000e+00> : vector<64xf32>
    %reduce_sum3A_7 = vector.multi_reduction <add>, %squeeze3A_5, %reduce_sum3A_6 [0] : vector<128x64xf32> to vector<64xf32>
    %mul3A = arith.constant 7.62939453E-6 : f32
    %mul3A_8 = vector.broadcast %mul3A : f32 to vector<64xf32>
    %mul3A_9 = arith.mulf %reduce_sum3A_3, %mul3A_8 : vector<64xf32>
    %mul3A_10 = arith.constant 7.62939453E-6 : f32
    %mul3A_11 = vector.broadcast %mul3A_10 : f32 to vector<64xf32>
    %mul3A_12 = arith.mulf %reduce_sum3A_7, %mul3A_11 : vector<64xf32>
    %mul3A_13 = arith.mulf %mul3A_9, %mul3A_9 : vector<64xf32>
    %sub3A = arith.subf %mul3A_12, %mul3A_13 : vector<64xf32>
    %get3A_14 = arith.constant 0 : index
    %get3A_15 = arith.constant 0 : index
    %get3A_16 = vector.load %arg5[%get3A_14, %get3A_15] : memref<8x64xf32, #tpu.memory_space<vmem>>, vector<1x64xf32>
    %get3A_17 = vector.shape_cast %get3A_16 : vector<1x64xf32> to vector<64xf32>
    %add3A = arith.constant 9.99999974E-6 : f32
    %add3A_18 = vector.broadcast %add3A : f32 to vector<64xf32>
    %add3A_19 = arith.addf %sub3A, %add3A_18 : vector<64xf32>
    %sqrt3A = math.sqrt %add3A_19 : vector<64xf32>
    %div3A = arith.divf %get3A_17, %sqrt3A : vector<64xf32>
    %get3A_20 = arith.constant 1 : index
    %get3A_21 = arith.constant 0 : index
    %get3A_22 = vector.load %arg5[%get3A_20, %get3A_21] : memref<8x64xf32, #tpu.memory_space<vmem>>, vector<1x64xf32>
    %get3A_23 = vector.shape_cast %get3A_22 : vector<1x64xf32> to vector<64xf32>
    %mul3A_24 = arith.mulf %mul3A_9, %div3A : vector<64xf32>
    %sub3A_25 = arith.subf %get3A_23, %mul3A_24 : vector<64xf32>
    %get3A_26 = arith.constant 0 : index
    %get3A_27 = arith.constant 0 : index
    %get3A_28 = arith.constant 0 : index
    %get3A_29 = vector.load %arg1[%get3A_26, %get3A_27, %get3A_28] : memref<32x32x64xf32, #tpu.memory_space<vmem>>, vector<32x32x64xf32>
    %reshape3A = vector.shape_cast %get3A_29 : vector<32x32x64xf32> to vector<1024x64xf32>
    %broadcast_in_dim3A = vector.shape_cast %div3A : vector<64xf32> to vector<1x64xf32>
    %mul3A_30 = vector.broadcast %broadcast_in_dim3A : vector<1x64xf32> to vector<1024x64xf32>
    %mul3A_31 = arith.mulf %reshape3A, %mul3A_30 : vector<1024x64xf32>
    %broadcast_in_dim3A_32 = vector.shape_cast %sub3A_25 : vector<64xf32> to vector<1x64xf32>
    %add3A_33 = vector.broadcast %broadcast_in_dim3A_32 : vector<1x64xf32> to vector<1024x64xf32>
    %add3A_34 = arith.addf %mul3A_31, %add3A_33 : vector<1024x64xf32>
    %max3A = arith.constant 0.000000e+00 : f32
    %max3A_35 = vector.broadcast %max3A : f32 to vector<1024x64xf32>
    %max3A_36 = arith.maximumf %add3A_34, %max3A_35 : vector<1024x64xf32>
    %get3A_37 = arith.constant 0 : index
    %get3A_38 = arith.constant 0 : index
    %get3A_39 = vector.load %arg2[%get3A_37, %get3A_38] : memref<64x64xf32, #tpu.memory_space<vmem>>, vector<64x64xf32>
    %dot_general3A = arith.constant dense<0.000000e+00> : vector<1024x64xf32>
    %dot_general3A_40 = tpu.matmul %max3A_36, %get3A_39, %dot_general3A {dimension_numbers = #tpu.dot_dimension_numbers<[1], [0], [0], [1], [0, 0, 1, 1], [], []>, transpose_lhs_hint = false} : vector<1024x64xf32>, vector<64x64xf32>, vector<1024x64xf32> -> vector<1024x64xf32>
    %get3A_41 = arith.constant 0 : index
    %get3A_42 = arith.constant 0 : index
    %get3A_43 = vector.load %arg3[%get3A_41, %get3A_42] : memref<8x64xf32, #tpu.memory_space<vmem>>, vector<1x64xf32>
    %add3A_44 = vector.broadcast %get3A_43 : vector<1x64xf32> to vector<1024x64xf32>
    %add3A_45 = arith.addf %dot_general3A_40, %add3A_44 : vector<1024x64xf32>
    %reshape3A_46 = vector.shape_cast %add3A_45 : vector<1024x64xf32> to vector<32x32x64xf32>
    %swap3A = arith.constant 0 : index
    %swap3A_47 = arith.constant 0 : index
    %swap3A_48 = arith.constant 0 : index
    %swap3A_49 = vector.load %arg6[%swap3A, %swap3A_47, %swap3A_48] : memref<32x32x64xf32, #tpu.memory_space<vmem>>, vector<32x32x64xf32>
    tpu.vector_store %arg6[%swap3A, %swap3A_47, %swap3A_48], %reshape3A_46 {strides = array<i32>} : memref<32x32x64xf32, #tpu.memory_space<vmem>>, vector<32x32x64xf32>,
    %reduce_sum3A_50 = arith.constant dense<0.000000e+00> : vector<64xf32>
    %reduce_sum3A_51 = vector.multi_reduction <add>, %add3A_45, %reduce_sum3A_50 [0] : vector<1024x64xf32> to vector<64xf32>
    %mul3A_52 = arith.mulf %add3A_45, %add3A_45 : vector<1024x64xf32>
    %reduce_sum3A_53 = arith.constant dense<0.000000e+00> : vector<64xf32>
    %reduce_sum3A_54 = vector.multi_reduction <add>, %mul3A_52, %reduce_sum3A_53 [0] : vector<1024x64xf32> to vector<64xf32>
    %broadcast_in_dim3A_55 = vector.shape_cast %reduce_sum3A_51 : vector<64xf32> to vector<1x64xf32>
    %broadcast_in_dim3A_56 = vector.shape_cast %reduce_sum3A_54 : vector<64xf32> to vector<1x64xf32>
    %broadcast_in_dim3A_57 = arith.constant 0.000000e+00 : f32
    %broadcast_in_dim3A_58 = vector.broadcast %broadcast_in_dim3A_57 : f32 to vector<6x64xf32>
    %concatenate3A = tpu.concatenate %broadcast_in_dim3A_55, %broadcast_in_dim3A_56, %broadcast_in_dim3A_58 in 0 : vector<1x64xf32>, vector<1x64xf32>, vector<6x64xf32> -> vector<8x64xf32>
    %swap3A_59 = arith.constant 0 : index
    %swap3A_60 = arith.constant 0 : index
    %swap3A_61 = arith.constant 0 : index
    %swap3A_62 = vector.load %arg7[%swap3A_59, %swap3A_60, %swap3A_61] : memref<1x8x64xf32, #tpu.memory_space<vmem>>, vector<1x8x64xf32>
    %swap3A_63 = vector.shape_cast %swap3A_62 : vector<1x8x64xf32> to vector<8x64xf32>
    %swap3A_64 = vector.shape_cast %concatenate3A : vector<8x64xf32> to vector<1x8x64xf32>
    tpu.vector_store %arg7[%swap3A_59, %swap3A_60, %swap3A_61], %swap3A_64 {strides = array<i32>} : memref<1x8x64xf32, #tpu.memory_space<vmem>>, vector<1x8x64xf32>,
    return
  }
  func.func @transform_0(%arg0: i32) -> (i32, i32, i32) {
    %c0_i32 = arith.constant 0 : i32
    %c0_i32_0 = arith.constant 0 : i32
    %c0_i32_1 = arith.constant 0 : i32
    return %arg0, %c0_i32, %c0_i32_0 : i32, i32, i32
  }
  func.func @transform_1(%arg0: i32) -> (i32, i32) {
    %c0_i32 = arith.constant 0 : i32
    %c0_i32_0 = arith.constant 0 : i32
    %c0_i32_1 = arith.constant 0 : i32
    return %c0_i32, %c0_i32_0 : i32, i32
  }
  func.func @transform_2(%arg0: i32) -> (i32, i32) {
    %c0_i32 = arith.constant 0 : i32
    %c0_i32_0 = arith.constant 0 : i32
    %c0_i32_1 = arith.constant 0 : i32
    return %c0_i32, %c0_i32_0 : i32, i32
  }
  func.func @transform_3(%arg0: i32) -> (i32, i32, i32) {
    %c0_i32 = arith.constant 0 : i32
    %c0_i32_0 = arith.constant 0 : i32
    %c0_i32_1 = arith.constant 0 : i32
    %c0_i32_2 = arith.constant 0 : i32
    return %c0_i32, %c0_i32_0, %c0_i32_1 : i32, i32, i32
  }
  func.func @transform_4(%arg0: i32) -> (i32, i32) {
    %c0_i32 = arith.constant 0 : i32
    %c0_i32_0 = arith.constant 0 : i32
    %c0_i32_1 = arith.constant 0 : i32
    return %c0_i32, %c0_i32_0 : i32, i32
  }
  func.func @transform_5(%arg0: i32) -> (i32, i32, i32) {
    %c0_i32 = arith.constant 0 : i32
    %c0_i32_0 = arith.constant 0 : i32
    %c0_i32_1 = arith.constant 0 : i32
    return %arg0, %c0_i32, %c0_i32_0 : i32, i32, i32
  }
  func.func @transform_6(%arg0: i32) -> (i32, i32, i32) {
    %c0_i32 = arith.constant 0 : i32
    %c0_i32_0 = arith.constant 0 : i32
    %c0_i32_1 = arith.constant 0 : i32
    return %arg0, %c0_i32, %c0_i32_0 : i32, i32, i32
  }
}

module attributes {stable_mosaic.version = 14 : i64} {
  func.func @_mlp_layer_body(%arg0: i32, %arg1: memref<32x32x64xf32, #tpu.memory_space<vmem>>, %arg2: memref<64x128xf32, #tpu.memory_space<vmem>>, %arg3: memref<8x128xf32, #tpu.memory_space<vmem>>, %arg4: memref<128x8x64xf32, #tpu.memory_space<vmem>>, %arg5: memref<8x64xf32, #tpu.memory_space<vmem>>, %arg6: memref<32x32x128xf32, #tpu.memory_space<vmem>>, %arg7: memref<1x8x128xf32, #tpu.memory_space<vmem>>) attributes {dimension_semantics = [#tpu.dimension_semantics<arbitrary>], iteration_bounds = array<i64: 128>, scalar_prefetch = 0 : i64, scratch_operands = 0 : i64, tpu.core_type = #tpu.core_type<tc>, window_params = [{transform_indices = @transform_0, window_bounds = array<i64: 32, 32, 64>}, {pipeline_mode = #tpu.pipeline_mode<synchronous>, transform_indices = @transform_1, window_bounds = array<i64: 64, 128>}, {pipeline_mode = #tpu.pipeline_mode<synchronous>, transform_indices = @transform_2, window_bounds = array<i64: 8, 128>}, {pipeline_mode = #tpu.pipeline_mode<synchronous>, transform_indices = @transform_3, window_bounds = array<i64: 128, 8, 64>}, {pipeline_mode = #tpu.pipeline_mode<synchronous>, transform_indices = @transform_4, window_bounds = array<i64: 8, 64>}, {transform_indices = @transform_5, window_bounds = array<i64: 32, 32, 128>}, {transform_indices = @transform_6, window_bounds = array<i64: 1, 8, 128>}]} {
    %get3A = arith.constant 0 : index
    %get3A_0 = arith.constant 0 : index
    %get3A_1 = arith.constant 0 : index
    %get3A_2 = vector.load %arg4[%get3A, %get3A_0, %get3A_1] : memref<128x8x64xf32, #tpu.memory_space<vmem>>, vector<128x8x64xf32>
    %slice3A = vector.extract_strided_slice %get3A_2 {offsets = [0, 0, 0], sizes = [128, 1, 64], strides = [1, 1, 1]} : vector<128x8x64xf32> to vector<128x1x64xf32>
    %squeeze3A = vector.shape_cast %slice3A : vector<128x1x64xf32> to vector<128x64xf32>
    %reduce_sum3A = arith.constant dense<0.000000e+00> : vector<64xf32>
    %reduce_sum3A_3 = vector.multi_reduction <add>, %squeeze3A, %reduce_sum3A [0] : vector<128x64xf32> to vector<64xf32>
    %slice3A_4 = vector.extract_strided_slice %get3A_2 {offsets = [0, 1, 0], sizes = [128, 1, 64], strides = [1, 1, 1]} : vector<128x8x64xf32> to vector<128x1x64xf32>
    %squeeze3A_5 = vector.shape_cast %slice3A_4 : vector<128x1x64xf32> to vector<128x64xf32>
    %reduce_sum3A_6 = arith.constant dense<0.000000e+00> : vector<64xf32>
    %reduce_sum3A_7 = vector.multi_reduction <add>, %squeeze3A_5, %reduce_sum3A_6 [0] : vector<128x64xf32> to vector<64xf32>
    %mul3A = arith.constant 7.62939453E-6 : f32
    %mul3A_8 = vector.broadcast %mul3A : f32 to vector<64xf32>
    %mul3A_9 = arith.mulf %reduce_sum3A_3, %mul3A_8 : vector<64xf32>
    %mul3A_10 = arith.constant 7.62939453E-6 : f32
    %mul3A_11 = vector.broadcast %mul3A_10 : f32 to vector<64xf32>
    %mul3A_12 = arith.mulf %reduce_sum3A_7, %mul3A_11 : vector<64xf32>
    %mul3A_13 = arith.mulf %mul3A_9, %mul3A_9 : vector<64xf32>
    %sub3A = arith.subf %mul3A_12, %mul3A_13 : vector<64xf32>
    %get3A_14 = arith.constant 0 : index
    %get3A_15 = arith.constant 0 : index
    %get3A_16 = vector.load %arg5[%get3A_14, %get3A_15] : memref<8x64xf32, #tpu.memory_space<vmem>>, vector<1x64xf32>
    %get3A_17 = vector.shape_cast %get3A_16 : vector<1x64xf32> to vector<64xf32>
    %add3A = arith.constant 9.99999974E-6 : f32
    %add3A_18 = vector.broadcast %add3A : f32 to vector<64xf32>
    %add3A_19 = arith.addf %sub3A, %add3A_18 : vector<64xf32>
    %sqrt3A = math.sqrt %add3A_19 : vector<64xf32>
    %div3A = arith.divf %get3A_17, %sqrt3A : vector<64xf32>
    %get3A_20 = arith.constant 1 : index
    %get3A_21 = arith.constant 0 : index
    %get3A_22 = vector.load %arg5[%get3A_20, %get3A_21] : memref<8x64xf32, #tpu.memory_space<vmem>>, vector<1x64xf32>
    %get3A_23 = vector.shape_cast %get3A_22 : vector<1x64xf32> to vector<64xf32>
    %mul3A_24 = arith.mulf %mul3A_9, %div3A : vector<64xf32>
    %sub3A_25 = arith.subf %get3A_23, %mul3A_24 : vector<64xf32>
    %get3A_26 = arith.constant 0 : index
    %get3A_27 = arith.constant 0 : index
    %get3A_28 = arith.constant 0 : index
    %get3A_29 = vector.load %arg1[%get3A_26, %get3A_27, %get3A_28] : memref<32x32x64xf32, #tpu.memory_space<vmem>>, vector<32x32x64xf32>
    %reshape3A = vector.shape_cast %get3A_29 : vector<32x32x64xf32> to vector<1024x64xf32>
    %broadcast_in_dim3A = vector.shape_cast %div3A : vector<64xf32> to vector<1x64xf32>
    %mul3A_30 = vector.broadcast %broadcast_in_dim3A : vector<1x64xf32> to vector<1024x64xf32>
    %mul3A_31 = arith.mulf %reshape3A, %mul3A_30 : vector<1024x64xf32>
    %broadcast_in_dim3A_32 = vector.shape_cast %sub3A_25 : vector<64xf32> to vector<1x64xf32>
    %add3A_33 = vector.broadcast %broadcast_in_dim3A_32 : vector<1x64xf32> to vector<1024x64xf32>
    %add3A_34 = arith.addf %mul3A_31, %add3A_33 : vector<1024x64xf32>
    %max3A = arith.constant 0.000000e+00 : f32
    %max3A_35 = vector.broadcast %max3A : f32 to vector<1024x64xf32>
    %max3A_36 = arith.maximumf %add3A_34, %max3A_35 : vector<1024x64xf32>
    %get3A_37 = arith.constant 0 : index
    %get3A_38 = arith.constant 0 : index
    %get3A_39 = vector.load %arg2[%get3A_37, %get3A_38] : memref<64x128xf32, #tpu.memory_space<vmem>>, vector<64x128xf32>
    %dot_general3A = arith.constant dense<0.000000e+00> : vector<1024x128xf32>
    %dot_general3A_40 = tpu.matmul %max3A_36, %get3A_39, %dot_general3A {dimension_numbers = #tpu.dot_dimension_numbers<[1], [0], [0], [1], [0, 0, 1, 1], [], []>, transpose_lhs_hint = false} : vector<1024x64xf32>, vector<64x128xf32>, vector<1024x128xf32> -> vector<1024x128xf32>
    %get3A_41 = arith.constant 0 : index
    %get3A_42 = arith.constant 0 : index
    %get3A_43 = vector.load %arg3[%get3A_41, %get3A_42] : memref<8x128xf32, #tpu.memory_space<vmem>>, vector<1x128xf32>
    %add3A_44 = vector.broadcast %get3A_43 : vector<1x128xf32> to vector<1024x128xf32>
    %add3A_45 = arith.addf %dot_general3A_40, %add3A_44 : vector<1024x128xf32>
    %reshape3A_46 = vector.shape_cast %add3A_45 : vector<1024x128xf32> to vector<32x32x128xf32>
    %swap3A = arith.constant 0 : index
    %swap3A_47 = arith.constant 0 : index
    %swap3A_48 = arith.constant 0 : index
    %swap3A_49 = vector.load %arg6[%swap3A, %swap3A_47, %swap3A_48] : memref<32x32x128xf32, #tpu.memory_space<vmem>>, vector<32x32x128xf32>
    tpu.vector_store %arg6[%swap3A, %swap3A_47, %swap3A_48], %reshape3A_46 {strides = array<i32>} : memref<32x32x128xf32, #tpu.memory_space<vmem>>, vector<32x32x128xf32>,
    %reduce_sum3A_50 = arith.constant dense<0.000000e+00> : vector<128xf32>
    %reduce_sum3A_51 = vector.multi_reduction <add>, %add3A_45, %reduce_sum3A_50 [0] : vector<1024x128xf32> to vector<128xf32>
    %mul3A_52 = arith.mulf %add3A_45, %add3A_45 : vector<1024x128xf32>
    %reduce_sum3A_53 = arith.constant dense<0.000000e+00> : vector<128xf32>
    %reduce_sum3A_54 = vector.multi_reduction <add>, %mul3A_52, %reduce_sum3A_53 [0] : vector<1024x128xf32> to vector<128xf32>
    %broadcast_in_dim3A_55 = vector.shape_cast %reduce_sum3A_51 : vector<128xf32> to vector<1x128xf32>
    %broadcast_in_dim3A_56 = vector.shape_cast %reduce_sum3A_54 : vector<128xf32> to vector<1x128xf32>
    %broadcast_in_dim3A_57 = arith.constant 0.000000e+00 : f32
    %broadcast_in_dim3A_58 = vector.broadcast %broadcast_in_dim3A_57 : f32 to vector<6x128xf32>
    %concatenate3A = tpu.concatenate %broadcast_in_dim3A_55, %broadcast_in_dim3A_56, %broadcast_in_dim3A_58 in 0 : vector<1x128xf32>, vector<1x128xf32>, vector<6x128xf32> -> vector<8x128xf32>
    %swap3A_59 = arith.constant 0 : index
    %swap3A_60 = arith.constant 0 : index
    %swap3A_61 = arith.constant 0 : index
    %swap3A_62 = vector.load %arg7[%swap3A_59, %swap3A_60, %swap3A_61] : memref<1x8x128xf32, #tpu.memory_space<vmem>>, vector<1x8x128xf32>
    %swap3A_63 = vector.shape_cast %swap3A_62 : vector<1x8x128xf32> to vector<8x128xf32>
    %swap3A_64 = vector.shape_cast %concatenate3A : vector<8x128xf32> to vector<1x8x128xf32>
    tpu.vector_store %arg7[%swap3A_59, %swap3A_60, %swap3A_61], %swap3A_64 {strides = array<i32>} : memref<1x8x128xf32, #tpu.memory_space<vmem>>, vector<1x8x128xf32>,
    return
  }
  func.func @transform_0(%arg0: i32) -> (i32, i32, i32) {
    %c0_i32 = arith.constant 0 : i32
    %c0_i32_0 = arith.constant 0 : i32
    %c0_i32_1 = arith.constant 0 : i32
    return %arg0, %c0_i32, %c0_i32_0 : i32, i32, i32
  }
  func.func @transform_1(%arg0: i32) -> (i32, i32) {
    %c0_i32 = arith.constant 0 : i32
    %c0_i32_0 = arith.constant 0 : i32
    %c0_i32_1 = arith.constant 0 : i32
    return %c0_i32, %c0_i32_0 : i32, i32
  }
  func.func @transform_2(%arg0: i32) -> (i32, i32) {
    %c0_i32 = arith.constant 0 : i32
    %c0_i32_0 = arith.constant 0 : i32
    %c0_i32_1 = arith.constant 0 : i32
    return %c0_i32, %c0_i32_0 : i32, i32
  }
  func.func @transform_3(%arg0: i32) -> (i32, i32, i32) {
    %c0_i32 = arith.constant 0 : i32
    %c0_i32_0 = arith.constant 0 : i32
    %c0_i32_1 = arith.constant 0 : i32
    %c0_i32_2 = arith.constant 0 : i32
    return %c0_i32, %c0_i32_0, %c0_i32_1 : i32, i32, i32
  }
  func.func @transform_4(%arg0: i32) -> (i32, i32) {
    %c0_i32 = arith.constant 0 : i32
    %c0_i32_0 = arith.constant 0 : i32
    %c0_i32_1 = arith.constant 0 : i32
    return %c0_i32, %c0_i32_0 : i32, i32
  }
  func.func @transform_5(%arg0: i32) -> (i32, i32, i32) {
    %c0_i32 = arith.constant 0 : i32
    %c0_i32_0 = arith.constant 0 : i32
    %c0_i32_1 = arith.constant 0 : i32
    return %arg0, %c0_i32, %c0_i32_0 : i32, i32, i32
  }
  func.func @transform_6(%arg0: i32) -> (i32, i32, i32) {
    %c0_i32 = arith.constant 0 : i32
    %c0_i32_0 = arith.constant 0 : i32
    %c0_i32_1 = arith.constant 0 : i32
    return %arg0, %c0_i32, %c0_i32_0 : i32, i32, i32
  }
}

module attributes {stable_mosaic.version = 14 : i64} {
  func.func @_mlp_final_body(%arg0: i32, %arg1: memref<32x32x128xf32, #tpu.memory_space<vmem>>, %arg2: memref<128x8x128xf32, #tpu.memory_space<vmem>>, %arg3: memref<8x128xf32, #tpu.memory_space<vmem>>, %arg4: memref<32x128xf32, #tpu.memory_space<vmem>>) attributes {dimension_semantics = [#tpu.dimension_semantics<arbitrary>], iteration_bounds = array<i64: 128>, scalar_prefetch = 0 : i64, scratch_operands = 0 : i64, tpu.core_type = #tpu.core_type<tc>, window_params = [{transform_indices = @transform_0, window_bounds = array<i64: 32, 32, 128>}, {pipeline_mode = #tpu.pipeline_mode<synchronous>, transform_indices = @transform_1, window_bounds = array<i64: 128, 8, 128>}, {pipeline_mode = #tpu.pipeline_mode<synchronous>, transform_indices = @transform_2, window_bounds = array<i64: 8, 128>}, {transform_indices = @transform_3, window_bounds = array<i64: 32, 128>}]} {
    %get3A = arith.constant 0 : index
    %get3A_0 = arith.constant 0 : index
    %get3A_1 = arith.constant 0 : index
    %get3A_2 = vector.load %arg2[%get3A, %get3A_0, %get3A_1] : memref<128x8x128xf32, #tpu.memory_space<vmem>>, vector<128x8x128xf32>
    %slice3A = vector.extract_strided_slice %get3A_2 {offsets = [0, 0, 0], sizes = [128, 1, 128], strides = [1, 1, 1]} : vector<128x8x128xf32> to vector<128x1x128xf32>
    %squeeze3A = vector.shape_cast %slice3A : vector<128x1x128xf32> to vector<128x128xf32>
    %reduce_sum3A = arith.constant dense<0.000000e+00> : vector<128xf32>
    %reduce_sum3A_3 = vector.multi_reduction <add>, %squeeze3A, %reduce_sum3A [0] : vector<128x128xf32> to vector<128xf32>
    %slice3A_4 = vector.extract_strided_slice %get3A_2 {offsets = [0, 1, 0], sizes = [128, 1, 128], strides = [1, 1, 1]} : vector<128x8x128xf32> to vector<128x1x128xf32>
    %squeeze3A_5 = vector.shape_cast %slice3A_4 : vector<128x1x128xf32> to vector<128x128xf32>
    %reduce_sum3A_6 = arith.constant dense<0.000000e+00> : vector<128xf32>
    %reduce_sum3A_7 = vector.multi_reduction <add>, %squeeze3A_5, %reduce_sum3A_6 [0] : vector<128x128xf32> to vector<128xf32>
    %mul3A = arith.constant 7.62939453E-6 : f32
    %mul3A_8 = vector.broadcast %mul3A : f32 to vector<128xf32>
    %mul3A_9 = arith.mulf %reduce_sum3A_3, %mul3A_8 : vector<128xf32>
    %mul3A_10 = arith.constant 7.62939453E-6 : f32
    %mul3A_11 = vector.broadcast %mul3A_10 : f32 to vector<128xf32>
    %mul3A_12 = arith.mulf %reduce_sum3A_7, %mul3A_11 : vector<128xf32>
    %mul3A_13 = arith.mulf %mul3A_9, %mul3A_9 : vector<128xf32>
    %sub3A = arith.subf %mul3A_12, %mul3A_13 : vector<128xf32>
    %get3A_14 = arith.constant 0 : index
    %get3A_15 = arith.constant 0 : index
    %get3A_16 = vector.load %arg3[%get3A_14, %get3A_15] : memref<8x128xf32, #tpu.memory_space<vmem>>, vector<1x128xf32>
    %get3A_17 = vector.shape_cast %get3A_16 : vector<1x128xf32> to vector<128xf32>
    %add3A = arith.constant 9.99999974E-6 : f32
    %add3A_18 = vector.broadcast %add3A : f32 to vector<128xf32>
    %add3A_19 = arith.addf %sub3A, %add3A_18 : vector<128xf32>
    %sqrt3A = math.sqrt %add3A_19 : vector<128xf32>
    %div3A = arith.divf %get3A_17, %sqrt3A : vector<128xf32>
    %get3A_20 = arith.constant 1 : index
    %get3A_21 = arith.constant 0 : index
    %get3A_22 = vector.load %arg3[%get3A_20, %get3A_21] : memref<8x128xf32, #tpu.memory_space<vmem>>, vector<1x128xf32>
    %get3A_23 = vector.shape_cast %get3A_22 : vector<1x128xf32> to vector<128xf32>
    %mul3A_24 = arith.mulf %mul3A_9, %div3A : vector<128xf32>
    %sub3A_25 = arith.subf %get3A_23, %mul3A_24 : vector<128xf32>
    %get3A_26 = arith.constant 0 : index
    %get3A_27 = arith.constant 0 : index
    %get3A_28 = arith.constant 0 : index
    %get3A_29 = vector.load %arg1[%get3A_26, %get3A_27, %get3A_28] : memref<32x32x128xf32, #tpu.memory_space<vmem>>, vector<32x32x128xf32>
    %broadcast_in_dim3A = vector.shape_cast %div3A : vector<128xf32> to vector<1x1x128xf32>
    %mul3A_30 = vector.broadcast %broadcast_in_dim3A : vector<1x1x128xf32> to vector<32x32x128xf32>
    %mul3A_31 = arith.mulf %get3A_29, %mul3A_30 : vector<32x32x128xf32>
    %broadcast_in_dim3A_32 = vector.shape_cast %sub3A_25 : vector<128xf32> to vector<1x1x128xf32>
    %add3A_33 = vector.broadcast %broadcast_in_dim3A_32 : vector<1x1x128xf32> to vector<32x32x128xf32>
    %add3A_34 = arith.addf %mul3A_31, %add3A_33 : vector<32x32x128xf32>
    %max3A = arith.constant 0.000000e+00 : f32
    %max3A_35 = vector.broadcast %max3A : f32 to vector<32x32x128xf32>
    %max3A_36 = arith.maximumf %add3A_34, %max3A_35 : vector<32x32x128xf32>
    %reduce_max3A = arith.constant dense<0xFF800000> : vector<32x128xf32>
    %reduce_max3A_37 = vector.multi_reduction <maximumf>, %max3A_36, %reduce_max3A [1] : vector<32x32x128xf32> to vector<32x128xf32>
    %swap3A = arith.constant 0 : index
    %swap3A_38 = arith.constant 0 : index
    %swap3A_39 = vector.load %arg4[%swap3A, %swap3A_38] : memref<32x128xf32, #tpu.memory_space<vmem>>, vector<32x128xf32>
    tpu.vector_store %arg4[%swap3A, %swap3A_38], %reduce_max3A_37 {strides = array<i32>} : memref<32x128xf32, #tpu.memory_space<vmem>>, vector<32x128xf32>,
    return
  }
  func.func @transform_0(%arg0: i32) -> (i32, i32, i32) {
    %c0_i32 = arith.constant 0 : i32
    %c0_i32_0 = arith.constant 0 : i32
    %c0_i32_1 = arith.constant 0 : i32
    return %arg0, %c0_i32, %c0_i32_0 : i32, i32, i32
  }
  func.func @transform_1(%arg0: i32) -> (i32, i32, i32) {
    %c0_i32 = arith.constant 0 : i32
    %c0_i32_0 = arith.constant 0 : i32
    %c0_i32_1 = arith.constant 0 : i32
    %c0_i32_2 = arith.constant 0 : i32
    return %c0_i32, %c0_i32_0, %c0_i32_1 : i32, i32, i32
  }
  func.func @transform_2(%arg0: i32) -> (i32, i32) {
    %c0_i32 = arith.constant 0 : i32
    %c0_i32_0 = arith.constant 0 : i32
    %c0_i32_1 = arith.constant 0 : i32
    return %c0_i32, %c0_i32_0 : i32, i32
  }
  func.func @transform_3(%arg0: i32) -> (i32, i32) {
    %c0_i32 = arith.constant 0 : i32
    %c0_i32_0 = arith.constant 0 : i32
    return %arg0, %c0_i32 : i32, i32
  }
}

module attributes {stable_mosaic.version = 14 : i64} {
  func.func @_mlp_layer_body(%arg0: i32, %arg1: memref<16x128x16xf32, #tpu.memory_space<vmem>>, %arg2: memref<16x64xf32, #tpu.memory_space<vmem>>, %arg3: memref<8x64xf32, #tpu.memory_space<vmem>>, %arg4: memref<16x16xf32, #tpu.memory_space<vmem>>, %arg5: memref<8x16xf32, #tpu.memory_space<vmem>>, %arg6: memref<16x128x64xf32, #tpu.memory_space<vmem>>, %arg7: memref<1x8x64xf32, #tpu.memory_space<vmem>>) attributes {dimension_semantics = [#tpu.dimension_semantics<arbitrary>], iteration_bounds = array<i64: 256>, scalar_prefetch = 0 : i64, scratch_operands = 0 : i64, tpu.core_type = #tpu.core_type<tc>, window_params = [{transform_indices = @transform_0, window_bounds = array<i64: 16, 128, 16>}, {pipeline_mode = #tpu.pipeline_mode<synchronous>, transform_indices = @transform_1, window_bounds = array<i64: 16, 64>}, {pipeline_mode = #tpu.pipeline_mode<synchronous>, transform_indices = @transform_2, window_bounds = array<i64: 8, 64>}, {transform_indices = @transform_3, window_bounds = array<i64: 16, 16>}, {pipeline_mode = #tpu.pipeline_mode<synchronous>, transform_indices = @transform_4, window_bounds = array<i64: 8, 16>}, {transform_indices = @transform_5, window_bounds = array<i64: 16, 128, 64>}, {transform_indices = @transform_6, window_bounds = array<i64: 1, 8, 64>}]} {
    %get3A = arith.constant 0 : index
    %get3A_0 = arith.constant 0 : index
    %get3A_1 = vector.load %arg4[%get3A, %get3A_0] : memref<16x16xf32, #tpu.memory_space<vmem>>, vector<16x16xf32>
    %get3A_2 = arith.constant 0 : index
    %get3A_3 = arith.constant 0 : index
    %get3A_4 = arith.constant 0 : index
    %get3A_5 = vector.load %arg1[%get3A_2, %get3A_3, %get3A_4] : memref<16x128x16xf32, #tpu.memory_space<vmem>>, vector<16x128x16xf32>
    %broadcast_in_dim3A = vector.shape_cast %get3A_1 : vector<16x16xf32> to vector<16x1x16xf32>
    %sub3A = vector.broadcast %broadcast_in_dim3A : vector<16x1x16xf32> to vector<16x128x16xf32>
    %sub3A_6 = arith.subf %get3A_5, %sub3A : vector<16x128x16xf32>
    %reshape3A = vector.shape_cast %sub3A_6 : vector<16x128x16xf32> to vector<2048x16xf32>
    %get3A_7 = arith.constant 0 : index
    %get3A_8 = arith.constant 0 : index
    %get3A_9 = vector.load %arg2[%get3A_7, %get3A_8] : memref<16x64xf32, #tpu.memory_space<vmem>>, vector<16x64xf32>
    %dot_general3A = arith.constant dense<0.000000e+00> : vector<2048x64xf32>
    %dot_general3A_10 = tpu.matmul %reshape3A, %get3A_9, %dot_general3A {dimension_numbers = #tpu.dot_dimension_numbers<[1], [0], [0], [1], [0, 0, 1, 1], [], []>, transpose_lhs_hint = false} : vector<2048x16xf32>, vector<16x64xf32>, vector<2048x64xf32> -> vector<2048x64xf32>
    %get3A_11 = arith.constant 0 : index
    %get3A_12 = arith.constant 0 : index
    %get3A_13 = vector.load %arg3[%get3A_11, %get3A_12] : memref<8x64xf32, #tpu.memory_space<vmem>>, vector<1x64xf32>
    %add3A = vector.broadcast %get3A_13 : vector<1x64xf32> to vector<2048x64xf32>
    %add3A_14 = arith.addf %dot_general3A_10, %add3A : vector<2048x64xf32>
    %reshape3A_15 = vector.shape_cast %add3A_14 : vector<2048x64xf32> to vector<16x128x64xf32>
    %swap3A = arith.constant 0 : index
    %swap3A_16 = arith.constant 0 : index
    %swap3A_17 = arith.constant 0 : index
    %swap3A_18 = vector.load %arg6[%swap3A, %swap3A_16, %swap3A_17] : memref<16x128x64xf32, #tpu.memory_space<vmem>>, vector<16x128x64xf32>
    tpu.vector_store %arg6[%swap3A, %swap3A_16, %swap3A_17], %reshape3A_15 {strides = array<i32>} : memref<16x128x64xf32, #tpu.memory_space<vmem>>, vector<16x128x64xf32>,
    %reduce_sum3A = arith.constant dense<0.000000e+00> : vector<64xf32>
    %reduce_sum3A_19 = vector.multi_reduction <add>, %add3A_14, %reduce_sum3A [0] : vector<2048x64xf32> to vector<64xf32>
    %mul3A = arith.mulf %add3A_14, %add3A_14 : vector<2048x64xf32>
    %reduce_sum3A_20 = arith.constant dense<0.000000e+00> : vector<64xf32>
    %reduce_sum3A_21 = vector.multi_reduction <add>, %mul3A, %reduce_sum3A_20 [0] : vector<2048x64xf32> to vector<64xf32>
    %broadcast_in_dim3A_22 = vector.shape_cast %reduce_sum3A_19 : vector<64xf32> to vector<1x64xf32>
    %broadcast_in_dim3A_23 = vector.shape_cast %reduce_sum3A_21 : vector<64xf32> to vector<1x64xf32>
    %broadcast_in_dim3A_24 = arith.constant 0.000000e+00 : f32
    %broadcast_in_dim3A_25 = vector.broadcast %broadcast_in_dim3A_24 : f32 to vector<6x64xf32>
    %concatenate3A = tpu.concatenate %broadcast_in_dim3A_22, %broadcast_in_dim3A_23, %broadcast_in_dim3A_25 in 0 : vector<1x64xf32>, vector<1x64xf32>, vector<6x64xf32> -> vector<8x64xf32>
    %swap3A_26 = arith.constant 0 : index
    %swap3A_27 = arith.constant 0 : index
    %swap3A_28 = arith.constant 0 : index
    %swap3A_29 = vector.load %arg7[%swap3A_26, %swap3A_27, %swap3A_28] : memref<1x8x64xf32, #tpu.memory_space<vmem>>, vector<1x8x64xf32>
    %swap3A_30 = vector.shape_cast %swap3A_29 : vector<1x8x64xf32> to vector<8x64xf32>
    %swap3A_31 = vector.shape_cast %concatenate3A : vector<8x64xf32> to vector<1x8x64xf32>
    tpu.vector_store %arg7[%swap3A_26, %swap3A_27, %swap3A_28], %swap3A_31 {strides = array<i32>} : memref<1x8x64xf32, #tpu.memory_space<vmem>>, vector<1x8x64xf32>,
    return
  }
  func.func @transform_0(%arg0: i32) -> (i32, i32, i32) {
    %c0_i32 = arith.constant 0 : i32
    %c0_i32_0 = arith.constant 0 : i32
    %c0_i32_1 = arith.constant 0 : i32
    return %arg0, %c0_i32, %c0_i32_0 : i32, i32, i32
  }
  func.func @transform_1(%arg0: i32) -> (i32, i32) {
    %c0_i32 = arith.constant 0 : i32
    %c0_i32_0 = arith.constant 0 : i32
    %c0_i32_1 = arith.constant 0 : i32
    return %c0_i32, %c0_i32_0 : i32, i32
  }
  func.func @transform_2(%arg0: i32) -> (i32, i32) {
    %c0_i32 = arith.constant 0 : i32
    %c0_i32_0 = arith.constant 0 : i32
    %c0_i32_1 = arith.constant 0 : i32
    return %c0_i32, %c0_i32_0 : i32, i32
  }
  func.func @transform_3(%arg0: i32) -> (i32, i32) {
    %c0_i32 = arith.constant 0 : i32
    %c0_i32_0 = arith.constant 0 : i32
    return %arg0, %c0_i32 : i32, i32
  }
  func.func @transform_4(%arg0: i32) -> (i32, i32) {
    %c0_i32 = arith.constant 0 : i32
    %c0_i32_0 = arith.constant 0 : i32
    %c0_i32_1 = arith.constant 0 : i32
    return %c0_i32, %c0_i32_0 : i32, i32
  }
  func.func @transform_5(%arg0: i32) -> (i32, i32, i32) {
    %c0_i32 = arith.constant 0 : i32
    %c0_i32_0 = arith.constant 0 : i32
    %c0_i32_1 = arith.constant 0 : i32
    return %arg0, %c0_i32, %c0_i32_0 : i32, i32, i32
  }
  func.func @transform_6(%arg0: i32) -> (i32, i32, i32) {
    %c0_i32 = arith.constant 0 : i32
    %c0_i32_0 = arith.constant 0 : i32
    %c0_i32_1 = arith.constant 0 : i32
    return %arg0, %c0_i32, %c0_i32_0 : i32, i32, i32
  }
}

module attributes {stable_mosaic.version = 14 : i64} {
  func.func @_mlp_layer_body(%arg0: i32, %arg1: memref<16x128x64xf32, #tpu.memory_space<vmem>>, %arg2: memref<64x96xf32, #tpu.memory_space<vmem>>, %arg3: memref<8x96xf32, #tpu.memory_space<vmem>>, %arg4: memref<256x8x64xf32, #tpu.memory_space<vmem>>, %arg5: memref<8x64xf32, #tpu.memory_space<vmem>>, %arg6: memref<16x128x96xf32, #tpu.memory_space<vmem>>, %arg7: memref<1x8x96xf32, #tpu.memory_space<vmem>>) attributes {dimension_semantics = [#tpu.dimension_semantics<arbitrary>], iteration_bounds = array<i64: 256>, scalar_prefetch = 0 : i64, scratch_operands = 0 : i64, tpu.core_type = #tpu.core_type<tc>, window_params = [{transform_indices = @transform_0, window_bounds = array<i64: 16, 128, 64>}, {pipeline_mode = #tpu.pipeline_mode<synchronous>, transform_indices = @transform_1, window_bounds = array<i64: 64, 96>}, {pipeline_mode = #tpu.pipeline_mode<synchronous>, transform_indices = @transform_2, window_bounds = array<i64: 8, 96>}, {pipeline_mode = #tpu.pipeline_mode<synchronous>, transform_indices = @transform_3, window_bounds = array<i64: 256, 8, 64>}, {pipeline_mode = #tpu.pipeline_mode<synchronous>, transform_indices = @transform_4, window_bounds = array<i64: 8, 64>}, {transform_indices = @transform_5, window_bounds = array<i64: 16, 128, 96>}, {transform_indices = @transform_6, window_bounds = array<i64: 1, 8, 96>}]} {
    %get3A = arith.constant 0 : index
    %get3A_0 = arith.constant 0 : index
    %get3A_1 = arith.constant 0 : index
    %get3A_2 = vector.load %arg4[%get3A, %get3A_0, %get3A_1] : memref<256x8x64xf32, #tpu.memory_space<vmem>>, vector<256x8x64xf32>
    %slice3A = vector.extract_strided_slice %get3A_2 {offsets = [0, 0, 0], sizes = [256, 1, 64], strides = [1, 1, 1]} : vector<256x8x64xf32> to vector<256x1x64xf32>
    %squeeze3A = vector.shape_cast %slice3A : vector<256x1x64xf32> to vector<256x64xf32>
    %reduce_sum3A = arith.constant dense<0.000000e+00> : vector<64xf32>
    %reduce_sum3A_3 = vector.multi_reduction <add>, %squeeze3A, %reduce_sum3A [0] : vector<256x64xf32> to vector<64xf32>
    %slice3A_4 = vector.extract_strided_slice %get3A_2 {offsets = [0, 1, 0], sizes = [256, 1, 64], strides = [1, 1, 1]} : vector<256x8x64xf32> to vector<256x1x64xf32>
    %squeeze3A_5 = vector.shape_cast %slice3A_4 : vector<256x1x64xf32> to vector<256x64xf32>
    %reduce_sum3A_6 = arith.constant dense<0.000000e+00> : vector<64xf32>
    %reduce_sum3A_7 = vector.multi_reduction <add>, %squeeze3A_5, %reduce_sum3A_6 [0] : vector<256x64xf32> to vector<64xf32>
    %mul3A = arith.constant 1.90734863E-6 : f32
    %mul3A_8 = vector.broadcast %mul3A : f32 to vector<64xf32>
    %mul3A_9 = arith.mulf %reduce_sum3A_3, %mul3A_8 : vector<64xf32>
    %mul3A_10 = arith.constant 1.90734863E-6 : f32
    %mul3A_11 = vector.broadcast %mul3A_10 : f32 to vector<64xf32>
    %mul3A_12 = arith.mulf %reduce_sum3A_7, %mul3A_11 : vector<64xf32>
    %mul3A_13 = arith.mulf %mul3A_9, %mul3A_9 : vector<64xf32>
    %sub3A = arith.subf %mul3A_12, %mul3A_13 : vector<64xf32>
    %get3A_14 = arith.constant 0 : index
    %get3A_15 = arith.constant 0 : index
    %get3A_16 = vector.load %arg5[%get3A_14, %get3A_15] : memref<8x64xf32, #tpu.memory_space<vmem>>, vector<1x64xf32>
    %get3A_17 = vector.shape_cast %get3A_16 : vector<1x64xf32> to vector<64xf32>
    %add3A = arith.constant 9.99999974E-6 : f32
    %add3A_18 = vector.broadcast %add3A : f32 to vector<64xf32>
    %add3A_19 = arith.addf %sub3A, %add3A_18 : vector<64xf32>
    %sqrt3A = math.sqrt %add3A_19 : vector<64xf32>
    %div3A = arith.divf %get3A_17, %sqrt3A : vector<64xf32>
    %get3A_20 = arith.constant 1 : index
    %get3A_21 = arith.constant 0 : index
    %get3A_22 = vector.load %arg5[%get3A_20, %get3A_21] : memref<8x64xf32, #tpu.memory_space<vmem>>, vector<1x64xf32>
    %get3A_23 = vector.shape_cast %get3A_22 : vector<1x64xf32> to vector<64xf32>
    %mul3A_24 = arith.mulf %mul3A_9, %div3A : vector<64xf32>
    %sub3A_25 = arith.subf %get3A_23, %mul3A_24 : vector<64xf32>
    %get3A_26 = arith.constant 0 : index
    %get3A_27 = arith.constant 0 : index
    %get3A_28 = arith.constant 0 : index
    %get3A_29 = vector.load %arg1[%get3A_26, %get3A_27, %get3A_28] : memref<16x128x64xf32, #tpu.memory_space<vmem>>, vector<16x128x64xf32>
    %reshape3A = vector.shape_cast %get3A_29 : vector<16x128x64xf32> to vector<2048x64xf32>
    %broadcast_in_dim3A = vector.shape_cast %div3A : vector<64xf32> to vector<1x64xf32>
    %mul3A_30 = vector.broadcast %broadcast_in_dim3A : vector<1x64xf32> to vector<2048x64xf32>
    %mul3A_31 = arith.mulf %reshape3A, %mul3A_30 : vector<2048x64xf32>
    %broadcast_in_dim3A_32 = vector.shape_cast %sub3A_25 : vector<64xf32> to vector<1x64xf32>
    %add3A_33 = vector.broadcast %broadcast_in_dim3A_32 : vector<1x64xf32> to vector<2048x64xf32>
    %add3A_34 = arith.addf %mul3A_31, %add3A_33 : vector<2048x64xf32>
    %max3A = arith.constant 0.000000e+00 : f32
    %max3A_35 = vector.broadcast %max3A : f32 to vector<2048x64xf32>
    %max3A_36 = arith.maximumf %add3A_34, %max3A_35 : vector<2048x64xf32>
    %get3A_37 = arith.constant 0 : index
    %get3A_38 = arith.constant 0 : index
    %get3A_39 = vector.load %arg2[%get3A_37, %get3A_38] : memref<64x96xf32, #tpu.memory_space<vmem>>, vector<64x96xf32>
    %dot_general3A = arith.constant dense<0.000000e+00> : vector<2048x96xf32>
    %dot_general3A_40 = tpu.matmul %max3A_36, %get3A_39, %dot_general3A {dimension_numbers = #tpu.dot_dimension_numbers<[1], [0], [0], [1], [0, 0, 1, 1], [], []>, transpose_lhs_hint = false} : vector<2048x64xf32>, vector<64x96xf32>, vector<2048x96xf32> -> vector<2048x96xf32>
    %get3A_41 = arith.constant 0 : index
    %get3A_42 = arith.constant 0 : index
    %get3A_43 = vector.load %arg3[%get3A_41, %get3A_42] : memref<8x96xf32, #tpu.memory_space<vmem>>, vector<1x96xf32>
    %add3A_44 = vector.broadcast %get3A_43 : vector<1x96xf32> to vector<2048x96xf32>
    %add3A_45 = arith.addf %dot_general3A_40, %add3A_44 : vector<2048x96xf32>
    %reshape3A_46 = vector.shape_cast %add3A_45 : vector<2048x96xf32> to vector<16x128x96xf32>
    %swap3A = arith.constant 0 : index
    %swap3A_47 = arith.constant 0 : index
    %swap3A_48 = arith.constant 0 : index
    %swap3A_49 = vector.load %arg6[%swap3A, %swap3A_47, %swap3A_48] : memref<16x128x96xf32, #tpu.memory_space<vmem>>, vector<16x128x96xf32>
    tpu.vector_store %arg6[%swap3A, %swap3A_47, %swap3A_48], %reshape3A_46 {strides = array<i32>} : memref<16x128x96xf32, #tpu.memory_space<vmem>>, vector<16x128x96xf32>,
    %reduce_sum3A_50 = arith.constant dense<0.000000e+00> : vector<96xf32>
    %reduce_sum3A_51 = vector.multi_reduction <add>, %add3A_45, %reduce_sum3A_50 [0] : vector<2048x96xf32> to vector<96xf32>
    %mul3A_52 = arith.mulf %add3A_45, %add3A_45 : vector<2048x96xf32>
    %reduce_sum3A_53 = arith.constant dense<0.000000e+00> : vector<96xf32>
    %reduce_sum3A_54 = vector.multi_reduction <add>, %mul3A_52, %reduce_sum3A_53 [0] : vector<2048x96xf32> to vector<96xf32>
    %broadcast_in_dim3A_55 = vector.shape_cast %reduce_sum3A_51 : vector<96xf32> to vector<1x96xf32>
    %broadcast_in_dim3A_56 = vector.shape_cast %reduce_sum3A_54 : vector<96xf32> to vector<1x96xf32>
    %broadcast_in_dim3A_57 = arith.constant 0.000000e+00 : f32
    %broadcast_in_dim3A_58 = vector.broadcast %broadcast_in_dim3A_57 : f32 to vector<6x96xf32>
    %concatenate3A = tpu.concatenate %broadcast_in_dim3A_55, %broadcast_in_dim3A_56, %broadcast_in_dim3A_58 in 0 : vector<1x96xf32>, vector<1x96xf32>, vector<6x96xf32> -> vector<8x96xf32>
    %swap3A_59 = arith.constant 0 : index
    %swap3A_60 = arith.constant 0 : index
    %swap3A_61 = arith.constant 0 : index
    %swap3A_62 = vector.load %arg7[%swap3A_59, %swap3A_60, %swap3A_61] : memref<1x8x96xf32, #tpu.memory_space<vmem>>, vector<1x8x96xf32>
    %swap3A_63 = vector.shape_cast %swap3A_62 : vector<1x8x96xf32> to vector<8x96xf32>
    %swap3A_64 = vector.shape_cast %concatenate3A : vector<8x96xf32> to vector<1x8x96xf32>
    tpu.vector_store %arg7[%swap3A_59, %swap3A_60, %swap3A_61], %swap3A_64 {strides = array<i32>} : memref<1x8x96xf32, #tpu.memory_space<vmem>>, vector<1x8x96xf32>,
    return
  }
  func.func @transform_0(%arg0: i32) -> (i32, i32, i32) {
    %c0_i32 = arith.constant 0 : i32
    %c0_i32_0 = arith.constant 0 : i32
    %c0_i32_1 = arith.constant 0 : i32
    return %arg0, %c0_i32, %c0_i32_0 : i32, i32, i32
  }
  func.func @transform_1(%arg0: i32) -> (i32, i32) {
    %c0_i32 = arith.constant 0 : i32
    %c0_i32_0 = arith.constant 0 : i32
    %c0_i32_1 = arith.constant 0 : i32
    return %c0_i32, %c0_i32_0 : i32, i32
  }
  func.func @transform_2(%arg0: i32) -> (i32, i32) {
    %c0_i32 = arith.constant 0 : i32
    %c0_i32_0 = arith.constant 0 : i32
    %c0_i32_1 = arith.constant 0 : i32
    return %c0_i32, %c0_i32_0 : i32, i32
  }
  func.func @transform_3(%arg0: i32) -> (i32, i32, i32) {
    %c0_i32 = arith.constant 0 : i32
    %c0_i32_0 = arith.constant 0 : i32
    %c0_i32_1 = arith.constant 0 : i32
    %c0_i32_2 = arith.constant 0 : i32
    return %c0_i32, %c0_i32_0, %c0_i32_1 : i32, i32, i32
  }
  func.func @transform_4(%arg0: i32) -> (i32, i32) {
    %c0_i32 = arith.constant 0 : i32
    %c0_i32_0 = arith.constant 0 : i32
    %c0_i32_1 = arith.constant 0 : i32
    return %c0_i32, %c0_i32_0 : i32, i32
  }
  func.func @transform_5(%arg0: i32) -> (i32, i32, i32) {
    %c0_i32 = arith.constant 0 : i32
    %c0_i32_0 = arith.constant 0 : i32
    %c0_i32_1 = arith.constant 0 : i32
    return %arg0, %c0_i32, %c0_i32_0 : i32, i32, i32
  }
  func.func @transform_6(%arg0: i32) -> (i32, i32, i32) {
    %c0_i32 = arith.constant 0 : i32
    %c0_i32_0 = arith.constant 0 : i32
    %c0_i32_1 = arith.constant 0 : i32
    return %arg0, %c0_i32, %c0_i32_0 : i32, i32, i32
  }
}

module attributes {stable_mosaic.version = 14 : i64} {
  func.func @_mlp_layer_body(%arg0: i32, %arg1: memref<16x128x96xf32, #tpu.memory_space<vmem>>, %arg2: memref<96x128xf32, #tpu.memory_space<vmem>>, %arg3: memref<8x128xf32, #tpu.memory_space<vmem>>, %arg4: memref<256x8x96xf32, #tpu.memory_space<vmem>>, %arg5: memref<8x96xf32, #tpu.memory_space<vmem>>, %arg6: memref<16x128x128xf32, #tpu.memory_space<vmem>>, %arg7: memref<1x8x128xf32, #tpu.memory_space<vmem>>) attributes {dimension_semantics = [#tpu.dimension_semantics<arbitrary>], iteration_bounds = array<i64: 256>, scalar_prefetch = 0 : i64, scratch_operands = 0 : i64, tpu.core_type = #tpu.core_type<tc>, window_params = [{transform_indices = @transform_0, window_bounds = array<i64: 16, 128, 96>}, {pipeline_mode = #tpu.pipeline_mode<synchronous>, transform_indices = @transform_1, window_bounds = array<i64: 96, 128>}, {pipeline_mode = #tpu.pipeline_mode<synchronous>, transform_indices = @transform_2, window_bounds = array<i64: 8, 128>}, {pipeline_mode = #tpu.pipeline_mode<synchronous>, transform_indices = @transform_3, window_bounds = array<i64: 256, 8, 96>}, {pipeline_mode = #tpu.pipeline_mode<synchronous>, transform_indices = @transform_4, window_bounds = array<i64: 8, 96>}, {transform_indices = @transform_5, window_bounds = array<i64: 16, 128, 128>}, {transform_indices = @transform_6, window_bounds = array<i64: 1, 8, 128>}]} {
    %get3A = arith.constant 0 : index
    %get3A_0 = arith.constant 0 : index
    %get3A_1 = arith.constant 0 : index
    %get3A_2 = vector.load %arg4[%get3A, %get3A_0, %get3A_1] : memref<256x8x96xf32, #tpu.memory_space<vmem>>, vector<256x8x96xf32>
    %slice3A = vector.extract_strided_slice %get3A_2 {offsets = [0, 0, 0], sizes = [256, 1, 96], strides = [1, 1, 1]} : vector<256x8x96xf32> to vector<256x1x96xf32>
    %squeeze3A = vector.shape_cast %slice3A : vector<256x1x96xf32> to vector<256x96xf32>
    %reduce_sum3A = arith.constant dense<0.000000e+00> : vector<96xf32>
    %reduce_sum3A_3 = vector.multi_reduction <add>, %squeeze3A, %reduce_sum3A [0] : vector<256x96xf32> to vector<96xf32>
    %slice3A_4 = vector.extract_strided_slice %get3A_2 {offsets = [0, 1, 0], sizes = [256, 1, 96], strides = [1, 1, 1]} : vector<256x8x96xf32> to vector<256x1x96xf32>
    %squeeze3A_5 = vector.shape_cast %slice3A_4 : vector<256x1x96xf32> to vector<256x96xf32>
    %reduce_sum3A_6 = arith.constant dense<0.000000e+00> : vector<96xf32>
    %reduce_sum3A_7 = vector.multi_reduction <add>, %squeeze3A_5, %reduce_sum3A_6 [0] : vector<256x96xf32> to vector<96xf32>
    %mul3A = arith.constant 1.90734863E-6 : f32
    %mul3A_8 = vector.broadcast %mul3A : f32 to vector<96xf32>
    %mul3A_9 = arith.mulf %reduce_sum3A_3, %mul3A_8 : vector<96xf32>
    %mul3A_10 = arith.constant 1.90734863E-6 : f32
    %mul3A_11 = vector.broadcast %mul3A_10 : f32 to vector<96xf32>
    %mul3A_12 = arith.mulf %reduce_sum3A_7, %mul3A_11 : vector<96xf32>
    %mul3A_13 = arith.mulf %mul3A_9, %mul3A_9 : vector<96xf32>
    %sub3A = arith.subf %mul3A_12, %mul3A_13 : vector<96xf32>
    %get3A_14 = arith.constant 0 : index
    %get3A_15 = arith.constant 0 : index
    %get3A_16 = vector.load %arg5[%get3A_14, %get3A_15] : memref<8x96xf32, #tpu.memory_space<vmem>>, vector<1x96xf32>
    %get3A_17 = vector.shape_cast %get3A_16 : vector<1x96xf32> to vector<96xf32>
    %add3A = arith.constant 9.99999974E-6 : f32
    %add3A_18 = vector.broadcast %add3A : f32 to vector<96xf32>
    %add3A_19 = arith.addf %sub3A, %add3A_18 : vector<96xf32>
    %sqrt3A = math.sqrt %add3A_19 : vector<96xf32>
    %div3A = arith.divf %get3A_17, %sqrt3A : vector<96xf32>
    %get3A_20 = arith.constant 1 : index
    %get3A_21 = arith.constant 0 : index
    %get3A_22 = vector.load %arg5[%get3A_20, %get3A_21] : memref<8x96xf32, #tpu.memory_space<vmem>>, vector<1x96xf32>
    %get3A_23 = vector.shape_cast %get3A_22 : vector<1x96xf32> to vector<96xf32>
    %mul3A_24 = arith.mulf %mul3A_9, %div3A : vector<96xf32>
    %sub3A_25 = arith.subf %get3A_23, %mul3A_24 : vector<96xf32>
    %get3A_26 = arith.constant 0 : index
    %get3A_27 = arith.constant 0 : index
    %get3A_28 = arith.constant 0 : index
    %get3A_29 = vector.load %arg1[%get3A_26, %get3A_27, %get3A_28] : memref<16x128x96xf32, #tpu.memory_space<vmem>>, vector<16x128x96xf32>
    %reshape3A = vector.shape_cast %get3A_29 : vector<16x128x96xf32> to vector<2048x96xf32>
    %broadcast_in_dim3A = vector.shape_cast %div3A : vector<96xf32> to vector<1x96xf32>
    %mul3A_30 = vector.broadcast %broadcast_in_dim3A : vector<1x96xf32> to vector<2048x96xf32>
    %mul3A_31 = arith.mulf %reshape3A, %mul3A_30 : vector<2048x96xf32>
    %broadcast_in_dim3A_32 = vector.shape_cast %sub3A_25 : vector<96xf32> to vector<1x96xf32>
    %add3A_33 = vector.broadcast %broadcast_in_dim3A_32 : vector<1x96xf32> to vector<2048x96xf32>
    %add3A_34 = arith.addf %mul3A_31, %add3A_33 : vector<2048x96xf32>
    %max3A = arith.constant 0.000000e+00 : f32
    %max3A_35 = vector.broadcast %max3A : f32 to vector<2048x96xf32>
    %max3A_36 = arith.maximumf %add3A_34, %max3A_35 : vector<2048x96xf32>
    %get3A_37 = arith.constant 0 : index
    %get3A_38 = arith.constant 0 : index
    %get3A_39 = vector.load %arg2[%get3A_37, %get3A_38] : memref<96x128xf32, #tpu.memory_space<vmem>>, vector<96x128xf32>
    %dot_general3A = arith.constant dense<0.000000e+00> : vector<2048x128xf32>
    %dot_general3A_40 = tpu.matmul %max3A_36, %get3A_39, %dot_general3A {dimension_numbers = #tpu.dot_dimension_numbers<[1], [0], [0], [1], [0, 0, 1, 1], [], []>, transpose_lhs_hint = false} : vector<2048x96xf32>, vector<96x128xf32>, vector<2048x128xf32> -> vector<2048x128xf32>
    %get3A_41 = arith.constant 0 : index
    %get3A_42 = arith.constant 0 : index
    %get3A_43 = vector.load %arg3[%get3A_41, %get3A_42] : memref<8x128xf32, #tpu.memory_space<vmem>>, vector<1x128xf32>
    %add3A_44 = vector.broadcast %get3A_43 : vector<1x128xf32> to vector<2048x128xf32>
    %add3A_45 = arith.addf %dot_general3A_40, %add3A_44 : vector<2048x128xf32>
    %reshape3A_46 = vector.shape_cast %add3A_45 : vector<2048x128xf32> to vector<16x128x128xf32>
    %swap3A = arith.constant 0 : index
    %swap3A_47 = arith.constant 0 : index
    %swap3A_48 = arith.constant 0 : index
    %swap3A_49 = vector.load %arg6[%swap3A, %swap3A_47, %swap3A_48] : memref<16x128x128xf32, #tpu.memory_space<vmem>>, vector<16x128x128xf32>
    tpu.vector_store %arg6[%swap3A, %swap3A_47, %swap3A_48], %reshape3A_46 {strides = array<i32>} : memref<16x128x128xf32, #tpu.memory_space<vmem>>, vector<16x128x128xf32>,
    %reduce_sum3A_50 = arith.constant dense<0.000000e+00> : vector<128xf32>
    %reduce_sum3A_51 = vector.multi_reduction <add>, %add3A_45, %reduce_sum3A_50 [0] : vector<2048x128xf32> to vector<128xf32>
    %mul3A_52 = arith.mulf %add3A_45, %add3A_45 : vector<2048x128xf32>
    %reduce_sum3A_53 = arith.constant dense<0.000000e+00> : vector<128xf32>
    %reduce_sum3A_54 = vector.multi_reduction <add>, %mul3A_52, %reduce_sum3A_53 [0] : vector<2048x128xf32> to vector<128xf32>
    %broadcast_in_dim3A_55 = vector.shape_cast %reduce_sum3A_51 : vector<128xf32> to vector<1x128xf32>
    %broadcast_in_dim3A_56 = vector.shape_cast %reduce_sum3A_54 : vector<128xf32> to vector<1x128xf32>
    %broadcast_in_dim3A_57 = arith.constant 0.000000e+00 : f32
    %broadcast_in_dim3A_58 = vector.broadcast %broadcast_in_dim3A_57 : f32 to vector<6x128xf32>
    %concatenate3A = tpu.concatenate %broadcast_in_dim3A_55, %broadcast_in_dim3A_56, %broadcast_in_dim3A_58 in 0 : vector<1x128xf32>, vector<1x128xf32>, vector<6x128xf32> -> vector<8x128xf32>
    %swap3A_59 = arith.constant 0 : index
    %swap3A_60 = arith.constant 0 : index
    %swap3A_61 = arith.constant 0 : index
    %swap3A_62 = vector.load %arg7[%swap3A_59, %swap3A_60, %swap3A_61] : memref<1x8x128xf32, #tpu.memory_space<vmem>>, vector<1x8x128xf32>
    %swap3A_63 = vector.shape_cast %swap3A_62 : vector<1x8x128xf32> to vector<8x128xf32>
    %swap3A_64 = vector.shape_cast %concatenate3A : vector<8x128xf32> to vector<1x8x128xf32>
    tpu.vector_store %arg7[%swap3A_59, %swap3A_60, %swap3A_61], %swap3A_64 {strides = array<i32>} : memref<1x8x128xf32, #tpu.memory_space<vmem>>, vector<1x8x128xf32>,
    return
  }
  func.func @transform_0(%arg0: i32) -> (i32, i32, i32) {
    %c0_i32 = arith.constant 0 : i32
    %c0_i32_0 = arith.constant 0 : i32
    %c0_i32_1 = arith.constant 0 : i32
    return %arg0, %c0_i32, %c0_i32_0 : i32, i32, i32
  }
  func.func @transform_1(%arg0: i32) -> (i32, i32) {
    %c0_i32 = arith.constant 0 : i32
    %c0_i32_0 = arith.constant 0 : i32
    %c0_i32_1 = arith.constant 0 : i32
    return %c0_i32, %c0_i32_0 : i32, i32
  }
  func.func @transform_2(%arg0: i32) -> (i32, i32) {
    %c0_i32 = arith.constant 0 : i32
    %c0_i32_0 = arith.constant 0 : i32
    %c0_i32_1 = arith.constant 0 : i32
    return %c0_i32, %c0_i32_0 : i32, i32
  }
  func.func @transform_3(%arg0: i32) -> (i32, i32, i32) {
    %c0_i32 = arith.constant 0 : i32
    %c0_i32_0 = arith.constant 0 : i32
    %c0_i32_1 = arith.constant 0 : i32
    %c0_i32_2 = arith.constant 0 : i32
    return %c0_i32, %c0_i32_0, %c0_i32_1 : i32, i32, i32
  }
  func.func @transform_4(%arg0: i32) -> (i32, i32) {
    %c0_i32 = arith.constant 0 : i32
    %c0_i32_0 = arith.constant 0 : i32
    %c0_i32_1 = arith.constant 0 : i32
    return %c0_i32, %c0_i32_0 : i32, i32
  }
  func.func @transform_5(%arg0: i32) -> (i32, i32, i32) {
    %c0_i32 = arith.constant 0 : i32
    %c0_i32_0 = arith.constant 0 : i32
    %c0_i32_1 = arith.constant 0 : i32
    return %arg0, %c0_i32, %c0_i32_0 : i32, i32, i32
  }
  func.func @transform_6(%arg0: i32) -> (i32, i32, i32) {
    %c0_i32 = arith.constant 0 : i32
    %c0_i32_0 = arith.constant 0 : i32
    %c0_i32_1 = arith.constant 0 : i32
    return %arg0, %c0_i32, %c0_i32_0 : i32, i32, i32
  }
}

module attributes {stable_mosaic.version = 14 : i64} {
  func.func @_mlp_final_body(%arg0: i32, %arg1: memref<16x128x128xf32, #tpu.memory_space<vmem>>, %arg2: memref<256x8x128xf32, #tpu.memory_space<vmem>>, %arg3: memref<8x128xf32, #tpu.memory_space<vmem>>, %arg4: memref<16x128xf32, #tpu.memory_space<vmem>>) attributes {dimension_semantics = [#tpu.dimension_semantics<arbitrary>], iteration_bounds = array<i64: 256>, scalar_prefetch = 0 : i64, scratch_operands = 0 : i64, tpu.core_type = #tpu.core_type<tc>, window_params = [{transform_indices = @transform_0, window_bounds = array<i64: 16, 128, 128>}, {pipeline_mode = #tpu.pipeline_mode<synchronous>, transform_indices = @transform_1, window_bounds = array<i64: 256, 8, 128>}, {pipeline_mode = #tpu.pipeline_mode<synchronous>, transform_indices = @transform_2, window_bounds = array<i64: 8, 128>}, {transform_indices = @transform_3, window_bounds = array<i64: 16, 128>}]} {
    %get3A = arith.constant 0 : index
    %get3A_0 = arith.constant 0 : index
    %get3A_1 = arith.constant 0 : index
    %get3A_2 = vector.load %arg2[%get3A, %get3A_0, %get3A_1] : memref<256x8x128xf32, #tpu.memory_space<vmem>>, vector<256x8x128xf32>
    %slice3A = vector.extract_strided_slice %get3A_2 {offsets = [0, 0, 0], sizes = [256, 1, 128], strides = [1, 1, 1]} : vector<256x8x128xf32> to vector<256x1x128xf32>
    %squeeze3A = vector.shape_cast %slice3A : vector<256x1x128xf32> to vector<256x128xf32>
    %reduce_sum3A = arith.constant dense<0.000000e+00> : vector<128xf32>
    %reduce_sum3A_3 = vector.multi_reduction <add>, %squeeze3A, %reduce_sum3A [0] : vector<256x128xf32> to vector<128xf32>
    %slice3A_4 = vector.extract_strided_slice %get3A_2 {offsets = [0, 1, 0], sizes = [256, 1, 128], strides = [1, 1, 1]} : vector<256x8x128xf32> to vector<256x1x128xf32>
    %squeeze3A_5 = vector.shape_cast %slice3A_4 : vector<256x1x128xf32> to vector<256x128xf32>
    %reduce_sum3A_6 = arith.constant dense<0.000000e+00> : vector<128xf32>
    %reduce_sum3A_7 = vector.multi_reduction <add>, %squeeze3A_5, %reduce_sum3A_6 [0] : vector<256x128xf32> to vector<128xf32>
    %mul3A = arith.constant 1.90734863E-6 : f32
    %mul3A_8 = vector.broadcast %mul3A : f32 to vector<128xf32>
    %mul3A_9 = arith.mulf %reduce_sum3A_3, %mul3A_8 : vector<128xf32>
    %mul3A_10 = arith.constant 1.90734863E-6 : f32
    %mul3A_11 = vector.broadcast %mul3A_10 : f32 to vector<128xf32>
    %mul3A_12 = arith.mulf %reduce_sum3A_7, %mul3A_11 : vector<128xf32>
    %mul3A_13 = arith.mulf %mul3A_9, %mul3A_9 : vector<128xf32>
    %sub3A = arith.subf %mul3A_12, %mul3A_13 : vector<128xf32>
    %get3A_14 = arith.constant 0 : index
    %get3A_15 = arith.constant 0 : index
    %get3A_16 = vector.load %arg3[%get3A_14, %get3A_15] : memref<8x128xf32, #tpu.memory_space<vmem>>, vector<1x128xf32>
    %get3A_17 = vector.shape_cast %get3A_16 : vector<1x128xf32> to vector<128xf32>
    %add3A = arith.constant 9.99999974E-6 : f32
    %add3A_18 = vector.broadcast %add3A : f32 to vector<128xf32>
    %add3A_19 = arith.addf %sub3A, %add3A_18 : vector<128xf32>
    %sqrt3A = math.sqrt %add3A_19 : vector<128xf32>
    %div3A = arith.divf %get3A_17, %sqrt3A : vector<128xf32>
    %get3A_20 = arith.constant 1 : index
    %get3A_21 = arith.constant 0 : index
    %get3A_22 = vector.load %arg3[%get3A_20, %get3A_21] : memref<8x128xf32, #tpu.memory_space<vmem>>, vector<1x128xf32>
    %get3A_23 = vector.shape_cast %get3A_22 : vector<1x128xf32> to vector<128xf32>
    %mul3A_24 = arith.mulf %mul3A_9, %div3A : vector<128xf32>
    %sub3A_25 = arith.subf %get3A_23, %mul3A_24 : vector<128xf32>
    %get3A_26 = arith.constant 0 : index
    %get3A_27 = arith.constant 0 : index
    %get3A_28 = arith.constant 0 : index
    %get3A_29 = vector.load %arg1[%get3A_26, %get3A_27, %get3A_28] : memref<16x128x128xf32, #tpu.memory_space<vmem>>, vector<16x128x128xf32>
    %broadcast_in_dim3A = vector.shape_cast %div3A : vector<128xf32> to vector<1x1x128xf32>
    %mul3A_30 = vector.broadcast %broadcast_in_dim3A : vector<1x1x128xf32> to vector<16x128x128xf32>
    %mul3A_31 = arith.mulf %get3A_29, %mul3A_30 : vector<16x128x128xf32>
    %broadcast_in_dim3A_32 = vector.shape_cast %sub3A_25 : vector<128xf32> to vector<1x1x128xf32>
    %add3A_33 = vector.broadcast %broadcast_in_dim3A_32 : vector<1x1x128xf32> to vector<16x128x128xf32>
    %add3A_34 = arith.addf %mul3A_31, %add3A_33 : vector<16x128x128xf32>
    %max3A = arith.constant 0.000000e+00 : f32
    %max3A_35 = vector.broadcast %max3A : f32 to vector<16x128x128xf32>
    %max3A_36 = arith.maximumf %add3A_34, %max3A_35 : vector<16x128x128xf32>
    %reduce_max3A = arith.constant dense<0xFF800000> : vector<16x128xf32>
    %reduce_max3A_37 = vector.multi_reduction <maximumf>, %max3A_36, %reduce_max3A [1] : vector<16x128x128xf32> to vector<16x128xf32>
    %swap3A = arith.constant 0 : index
    %swap3A_38 = arith.constant 0 : index
    %swap3A_39 = vector.load %arg4[%swap3A, %swap3A_38] : memref<16x128xf32, #tpu.memory_space<vmem>>, vector<16x128xf32>
    tpu.vector_store %arg4[%swap3A, %swap3A_38], %reduce_max3A_37 {strides = array<i32>} : memref<16x128xf32, #tpu.memory_space<vmem>>, vector<16x128xf32>,
    return
  }
  func.func @transform_0(%arg0: i32) -> (i32, i32, i32) {
    %c0_i32 = arith.constant 0 : i32
    %c0_i32_0 = arith.constant 0 : i32
    %c0_i32_1 = arith.constant 0 : i32
    return %arg0, %c0_i32, %c0_i32_0 : i32, i32, i32
  }
  func.func @transform_1(%arg0: i32) -> (i32, i32, i32) {
    %c0_i32 = arith.constant 0 : i32
    %c0_i32_0 = arith.constant 0 : i32
    %c0_i32_1 = arith.constant 0 : i32
    %c0_i32_2 = arith.constant 0 : i32
    return %c0_i32, %c0_i32_0, %c0_i32_1 : i32, i32, i32
  }
  func.func @transform_2(%arg0: i32) -> (i32, i32) {
    %c0_i32 = arith.constant 0 : i32
    %c0_i32_0 = arith.constant 0 : i32
    %c0_i32_1 = arith.constant 0 : i32
    return %c0_i32, %c0_i32_0 : i32, i32
  }
  func.func @transform_3(%arg0: i32) -> (i32, i32) {
    %c0_i32 = arith.constant 0 : i32
    %c0_i32_0 = arith.constant 0 : i32
    return %arg0, %c0_i32 : i32, i32
  }
}

</mosaic_0001>

<sc_bundles>
// kernel: kernel.17.cloned.1.call-start
scs
__scs_entry_jumppad:
0x0: {  	(pc) =	sbr.rel $0x88, $3  }
0x1: {  	(tag) =	ssettag $0x0;
	lr =	simm.s32 $0x1  }
0x2: {  	[smem:$0x3F7B] =	sst lr;
	_ =	strace $0xD0000000  }
0x3: {  	_ = 	snop  }
0x4: {  	_ = 	snop  }
0x5: {  	_ = 	snop  }
0x6: {  	_ = 	snop  }
0x7: {  	_ = 	snop  }
__scs_overlays_trampoline_lowered:
0x8: {  	[smem:$0x3F8A] =	sst s0  }
0x9: {  	[smem:$0x3F8B] =	sst s1  }
0xa: {  	[smem:$0x3F8C] =	sst s2  }
0xb: {  	[smem:$0x3F8D] =	sst s3  }
0xc: {  	[smem:$0x3F8E] =	sst s4  }
0xd: {  	[smem:$0x3F8F] =	sst s5  }
0xe: {  	[smem:$0x3F90] =	sst s6  }
0xf: {  	[smem:$0x3F91] =	sst s7  }
0x10: {  	[smem:$0x3F92] =	sst s8  }
0x11: {  	[smem:$0x3F93] =	sst s9;
	s0 =	simm.s32 @!p0 $0x0  }
0x12: {  	s1 =	sld [smem:$0x3F79];
	s0 =	simm.s32 @p0 $0x1  }
0x13: {  	[smem:$0x3F94] =	sst s0;
	s0 =	simm.s32 @!p1 $0x0  }
0x14: {  	s2 =	sld [smem:$0x3F78];
	s0 =	simm.s32 @p1 $0x1  }
0x15: {  	[smem:$0x3F95] =	sst s0;
	s0 =	simm.s32 @!p2 $0x0  }
0x16: {  	s3 =	sld [smem:$0x3FDB];
	s0 =	simm.s32 @p2 $0x1  }
0x17: {  	s4 =	simm.s32 $0x1BF5;
	[smem:$0x3F97] =	sst s0  }
0x18: {  	s0 =	sld [smem:$0x3F7A];
	_ =	swait.ge [sflag:s4], $0x0  }
0x19: {  	s7 =	sld [smem:$0x3F7B]  }
0x1a: {  	s8 =	sadd.s32 $0xFFFFE003, lr  }
0x1b: {  	s9 =	sadd.s32 $0xFFFFFEF7, lr;
	s5 =	simm.s32 $0xFFFFFFFF;
	p2 =	slt.u32 s8, $0xFFFFF086  }
0x1c: {  	p1 =	slt.u32 s9, $0xF7A;
	s5 =	simm.s32 @!p2 $0x0  }
0x1d: {  	s5 =	simm.s32 @p1 $0x1;
	p0 =	seq.s32 s7, s2  }
0x1e: {  	s7 =	smul.u32 @!p0 $0xF7A, s2;
	p2 =	seq.s32 @!p0 s5, $0x0  }
0x1f: {  	s9 =	smul.u32 $0xF7A, s1;
	s8 =	simm.s32 @!p0 $0x1BF5;
	p2 =	por !p2, p0  }
0x20: {  	[sflag:s8] =	ssyncset.s32 @!p0 $0xFFFFF086;
	s6 =	sadd.s32 @!p0 s3, s7;
	s7 =	simm.s32 @!p0 $0x108  }
0x21: {  	s3 =	sadd.s32 s3, s9;
	s6 =	sadd.s32 @!p0 $0x88, s6;
	s7 =	simm.s32 @p2 $0x1082  }
0x22: {  	[simem:s7], [sflag:s8] =	dma.local @!p0 [hbm:s6], $0xF7A  }
0x23: {  	s9 =	sor.u32 $0xD0000000, s2;
	s6 =	simm.s32 $0x108;
	_ =	swait.ge @!p0 [sflag:s8], $0x0  }
0x24: {  	s3 =	sadd.s32 $0x88, s3;
	s6 =	simm.s32 @!p1 $0x1082;
	[sflag:s4] =	ssyncset.s32 $0xFFFFF086  }
0x25: {  	[simem:s6], [sflag:s4] =	dma.local [hbm:s3], $0xF7A  }
0x26: {  	[smem:$0x3F7B] =	sst s1;
	(tag) =	ssettag s2;
	_ =	strace s9  }
0x27: {  	s1 =	sld [smem:$0x3F8B]  }
0x28: {  	s2 =	sld [smem:$0x3F8C]  }
0x29: {  	s4 =	sld [smem:$0x3F8E]  }
0x2a: {  	p0 =	seq.s32 s5, $0x0;
	s5 =	sld [smem:$0x3F8F]  }
0x2b: {  	s6 =	sld [smem:$0x3F90]  }
0x2c: {  	s7 =	sld [smem:$0x3F91]  }
0x2d: {  	s3 =	simm.s32 $0x108;
	s8 =	sld [smem:$0x3F92]  }
0x2e: {  	s3 =	simm.s32 @!p0 $0x1082;
	s9 =	sld [smem:$0x3F93]  }
0x2f: {  	lr =	sadd.s32 s0, s3;
	s0 =	sld [smem:$0x3F8A]  }
0x30: {  	s3 =	sld [smem:$0x3F8D]  }
0x31: {  	[smem:$0x3F96] =	sst s10  }
0x32: {  	s10 =	sld [smem:$0x3F94];
	_ =	sdelay $0x3  }
0x33: {  	p0 =	seq.s32 s10, $0x1;
	s10 =	sld [smem:$0x3F96];
	_ =	sdelay $0x3  }
0x34: {  	[smem:$0x3F96] =	sst s10  }
0x35: {  	s10 =	sld [smem:$0x3F95];
	_ =	sdelay $0x3  }
0x36: {  	p1 =	seq.s32 s10, $0x1;
	s10 =	sld [smem:$0x3F96];
	_ =	sdelay $0x3  }
0x37: {  	[smem:$0x3F96] =	sst s10  }
0x38: {  	s10 =	sld [smem:$0x3F97]  }
0x39: {  	_ = 	snop;
	(pc) =	sbr.ind lr, $3  }
0x3a: {  	_ = 	snop  }
0x3b: {  	_ = 	snop  }
0x3c: {  	p2 =	seq.s32 s10, $0x1;
	s10 =	sld [smem:$0x3F96]  }
0x3d: {  	_ =	shalt  }
0x3e: {  	_ =	shalt  }
0x3f: {  	_ =	shalt  }
0x40: {  	_ =	shalt  }
0x41: {  	_ =	shalt  }
0x42: {  	_ =	shalt  }
0x43: {  	_ =	shalt  }
0x44: {  	_ =	shalt  }
0x45: {  	_ =	shalt  }
0x46: {  	_ =	shalt  }
0x47: {  	_ =	shalt  }
0x48: {  	_ =	shalt  }
0x49: {  	_ =	shalt  }
0x4a: {  	_ =	shalt  }
0x4b: {  	_ =	shalt  }
0x4c: {  	_ =	shalt  }
0x4d: {  	_ =	shalt  }
0x4e: {  	_ =	shalt  }
0x4f: {  	_ =	shalt  }
0x50: {  	_ =	shalt  }
0x51: {  	_ =	shalt  }
0x52: {  	_ =	shalt  }
0x53: {  	_ =	shalt  }
0x54: {  	_ =	shalt  }
0x55: {  	_ =	shalt  }
0x56: {  	_ =	shalt  }
0x57: {  	_ =	shalt  }
0x58: {  	_ =	shalt  }
0x59: {  	_ =	shalt  }
0x5a: {  	_ =	shalt  }
0x5b: {  	_ =	shalt  }
0x5c: {  	_ =	shalt  }
0x5d: {  	_ =	shalt  }
0x5e: {  	_ =	shalt  }
0x5f: {  	_ =	shalt  }
0x60: {  	_ =	shalt  }
0x61: {  	_ =	shalt  }
0x62: {  	_ =	shalt  }
0x63: {  	_ =	shalt  }
0x64: {  	_ =	shalt  }
0x65: {  	_ =	shalt  }
0x66: {  	_ =	shalt  }
0x67: {  	_ =	shalt  }
0x68: {  	_ =	shalt  }
0x69: {  	_ =	shalt  }
0x6a: {  	_ =	shalt  }
0x6b: {  	_ =	shalt  }
0x6c: {  	_ =	shalt  }
0x6d: {  	_ =	shalt  }
0x6e: {  	_ =	shalt  }
0x6f: {  	_ =	shalt  }
0x70: {  	_ =	shalt  }
0x71: {  	_ =	shalt  }
0x72: {  	_ =	shalt  }
0x73: {  	_ =	shalt  }
0x74: {  	_ =	shalt  }
0x75: {  	_ =	shalt  }
0x76: {  	_ =	shalt  }
0x77: {  	_ =	shalt  }
0x78: {  	_ =	shalt  }
0x79: {  	_ =	shalt  }
0x7a: {  	_ =	shalt  }
0x7b: {  	_ =	shalt  }
0x7c: {  	_ =	shalt  }
0x7d: {  	_ =	shalt  }
0x7e: {  	_ =	shalt  }
0x7f: {  	_ =	shalt  }
0x80: {  	_ =	shalt  }
0x81: {  	_ =	shalt  }
0x82: {  	_ =	shalt  }
0x83: {  	_ =	shalt  }
0x84: {  	_ =	shalt  }
0x85: {  	_ =	shalt  }
0x86: {  	_ =	shalt  }
0x87: {  	_ =	shalt  }
.Lfunc_end0:
.L_simem_size_0:
called_computation.1_lowered:
.L_overlay_start_0:
0x88: {  	s2 =	sld [smem:$0x3FD9]  }
0x89: {  	s3 =	sld [smem:$0x3FFE];
	_ =	sdelay $0x1  }
0x8a: {  	s1 =	srdreg.scid  }
0x8b: {  	s0 =	sand.u32 $0x1, s1  }
0x8c: {  	s14 =	sshll.u32 s0, $0xA;
	s2 =	sadd.s32 s3, s2  }
0x8d: {  	s2 =	sadd.s32 s2, s14  }
0x8e: {  	[smem:$0x3FA2] =	sst s2  }
0x8f: {  	_ = 	snop  }
0x90: {  	s2 =	sld [smem:$0x3FD0];
	_ =	sdelay $0x2  }
0x91: {  	s15 =	simm.s32 $0xA;
	s4 =	simm.s32 $0x10  }
0x92: {  	[smem:s4], [sflag:s15] =	dma.local [hbm:s2], $0x1  }
0x93: {  	_ =	swait.eq [sflag:s15], $0x1  }
0x94: {  	[sflag:s15] =	ssyncset.done $0x0  }
0x95: {  	[sflag:s15] =	ssyncadd.s32 $0xFFFFFFFF  }
0x96: {  	s16 =	sld [smem:$0x11];
	(tm) =	ssettm $0x1  }
0x97: {  	s17 =	sld [smem:$0x3FFB];
	_ =	sdelay $0x3  }
0x98: {  	_ =	strace s17  }
0x99: {  	s3 =	sld [smem:$0x3FFC];
	_ =	sdelay $0x3  }
0x9a: {  	_ =	strace s3  }
0x9b: {  	s3 =	sld [smem:$0x3FFD];
	_ =	sdelay $0x3  }
0x9c: {  	_ =	strace s3  }
0x9d: {  	_ =	strace $0x8FFFFFFF  }
0x9e: {  	s18 =	sld [smem:$0x3FDB];
	_ =	sdelay $0x1  }
0x9f: {  	s19 =	simm.s32 $_scs_section_size  }
0xa0: {  	s5 =	simm.s32 $_size__tile_overlayer_lowered;
	s6 =	simm.s32 $_tile_overlayer_lowered  }
0xa1: {  	s22 =	simm.s32 $0x1BFF;
	s21 =	sshll.u32 s6, $0x1;
	s3 =	sadd.s32 s19, s18  }
0xa2: {  	s7 =	simm.s32 $0x0;
	s20 =	sshll.u32 s5, $0x1;
	s5 =	sadd.s32 s21, s3  }
0xa3: {  	[timem:s7], [sflag:s22] =	dma.local [hbm:s5], s20  }
0xa4: {  	_ =	swait.ge [sflag:s22], s20  }
0xa5: {  	s4 =	ssub.s32 $0x0, s20;
	[sflag:s22] =	ssyncset.done $0x0  }
0xa6: {  	[sflag:s22] =	ssyncadd.s32 s4;
	_ =	sdelay $0x1  }
0xa7: {  	s23 =	simm.s32 $0x1B8B  }
0xa8: {  	_ =	swait.ge [sflag:s23], $0x1  }
0xa9: {  	[sflag:s23] =	ssyncset.done $0x0  }
0xaa: {  	s25 =	simm.s32 $0x1B8E;
	s24 =	sld [smem:$0x3FFE];
	[sflag:s23] =	ssyncadd.s32 $0xFFFFFFFF  }
0xab: {  	s26 =	simm.s32 $execute0_lowered;
	[smem:$0x3FD2] =	sst s25  }
0xac: {  	s5 =	sshll.u32 s26, $0x1;
	_ =	strace $0x80000049;
	[dreg:$0x1] =	wrdreg $0xFFFFFFFF  }
0xad: {  	s28 =	simm.s32 $_size_execute0_lowered;
	s3 =	sadd.s32 s3, s5;
	[dreg:$0x0] =	wrdreg $0x0  }
0xae: {  	s5 =	sshll.u32 s28, $0x1;
	[dreg:$0x2] =	wrdreg s3  }
0xaf: {  	[dreg:$0x3] =	wrdreg s5  }
0xb0: {  	[dreg:$0x4] =	wrdreg $0xC0  }
0xb1: {  	_ =	task [dreg:s7], $0x5FFFF  }
0xb2: {  	[dreg:$0x1] =	wrdreg $0xFFFFFFFF  }
0xb3: {  	[dreg:$0x0] =	wrdreg $0x60  }
0xb4: {  	[dreg:$0x2] =	wrdreg s24  }
0xb5: {  	[dreg:$0x3] =	wrdreg s16  }
0xb6: {  	[dreg:$0x4] =	wrdreg $0x9  }
0xb7: {  	_ =	task.clear_ibuf [dreg:s7], $0x5FFFF;
	_ =	strace $0x90000049  }
0xb8: {  	s29 =	simm.s32 $0x9;
	_ =	strace $0x8000004B  }
0xb9: {  	_ =	swait.ge [sflag:s29], $0x1  }
0xba: {  	[sflag:s29] =	ssyncadd.s32 $0xFFFFFFFF  }
0xbb: {  	_ =	strace $0x9000004B  }
0xbc: {  	_ =	sfence  }
0xbd: {  	s30 =	sld [smem:$0x0];
	_ =	sdelay $0x2  }
0xbe: {  	s31 =	sshll.u32 s1, $0xD;
	s1 =	sshrl.u32 s1, $0x2  }
0xbf: {  	s3 =	sand.u32 $0x4000, s31;
	s1 =	sadd.s32 s1, s30  }
0xc0: {  	s0 =	sor.u32 s3, s0;
	s1 =	sshll.u32 s1, $0x11  }
0xc1: {  	s0 =	sor.u32 s1, s0  }
0xc2: {  	s0 =	sadd.s32 $0x8F2B, s0  }
0xc3: {  	[sflag:s0] =	ssyncadd.remote.s32 $0x1  }
0xc4: {  	_ =	sfence.sel $0xFFFF  }
0xc5: {  	[dreg:$0x0] =	wrdreg $0xFFFFFFFF;
	(pc) =	sbr.abs _section_cstart, $3  }
0xc6: {  	[dreg:$0x1] =	wrdreg $0xFFFFFFFF  }
0xc7: {  	_ =	task.clear_ibuf [dreg:s7], $0x2FFFF;
	_ =	strace $0x9FFFFFFF  }
0xc8: {  	(tm) =	ssettm $0x7FFFFFFF  }
0xc9: {  	_ =	shalt  }
tec
execute0_lowered:
.L_overlay_start_1:
0x0: {  	(tag) =	ssettag $0x1  }
0x1: {  	s0 =	rddreg [dreg:$0x0];
	s2 =	simm.s32 $0x0;
	s1 =	srdreg.scid  }
0x2: {  	s8 =	stileid.u32;
	s12 =	simm.s32 $0x4;
	s15 =	simm.s32 $0x8190  }
0x3: {  	s17 =	simm.s32 $0x80F0;
	s18 =	simm.s32 $0x8290;
	s19 =	simm.s32 $0x80  }
0x4: {  	s20 =	simm.s32 $0x8110;
	s21 =	simm.s32 $0x8490;
	s22 =	simm.s32 $0x1  }
0x5: {  	s23 =	simm.s32 $0x2;
	s24 =	simm.s32 $0x3;
	[smem:$0x7FF] =	sst s2  }
0x6: {  	s1 =	sand.u32 $0x1, s1;
	s3 =	sadd.s32 $0x20E600, s0;
	s5 =	sadd.s32 $0x40E600, s0  }
0x7: {  	s6 =	sadd.s32 $0xA600, s0;
	s7 =	sadd.s32 $0x4A600, s0;
	s30 =	sshll.u32 s8, $0x8  }
.Ltmp0:
0x8: {  	s31 =	sshll.u32 s8, $0xB;
	s28 =	ssub.s32 $0x2, s1;
	(pc) =	sbr.rel .LBB2_1-.Ltmp0, $4  }
0x9: {  	v0 =	vlaneseq.u32;
	_ =	strace $0x8000004A;
	s1 =	sshll.u32 s1, $0x7;
	s4 =	sshrl.u32 s28, $0x1  }
0xa: {  	v1 =	vimm.s32 $0x0;
	v2 =	vor.u32 $0x10, v0;
	[dreg:$0x3] =	wrdreg s3;
	s1 =	sor.u32 s30, s1;
	s29 =	ssub.s32 s28, s4  }
0xb: {  	v3 =	vor.u32 $0x20, v0;
	v4 =	vor.u32 $0x30, v0;
	v5 =	vor.u32 $0x40, v0;
	s8 =	sand.u32 $0x7000, s31;
	[dreg:$0x4] =	wrdreg s1;
	s0 =	smax.u32 s29, $0x1  }
0xc: {  	v6 =	vor.u32 $0x50, v0;
	v7 =	vor.u32 $0x60, v0;
	v8 =	vor.u32 $0x70, v0;
	s13 =	sor.u32 $0x10, s8;
	s1 =	simm.s32 $0x0;
	[dreg:$0x5] =	wrdreg s0  }
.LBB2_11:
0xd: {  	s1 =	rddreg [dreg:$0x6]  }
0xe: {  	s0 =	rddreg [dreg:$0x5];
	s1 =	sadd.s32 $0x1, s1  }
0xf: {  	p0 =	sne.s32 s1, s0  }
.Ltmp1:
0x10: {  	_ = 	snop;
	(pc) =	sbr.rel @!p0 .LBB2_12-.Ltmp1, $1  }
0x11: {  	_ =	sdelay $0x3  }
.LBB2_1:
.Ltmp2:
0x12: {  	(pc) =	sbr.rel .LBB2_2-.Ltmp2, $2  }
0x13: {  	_ =	sdelay $0x2  }
0x14: {  	[dreg:$0x6] =	wrdreg s1;
	s0 =	simm.s32 $0x0  }
.LBB2_10:
0x15: {  	s0 =	rddreg [dreg:$0x7]  }
0x16: {  	s0 =	sadd.s32 $0x1, s0  }
0x17: {  	p0 =	sne.s32 s0, $0x10  }
.Ltmp3:
0x18: {  	_ = 	snop;
	(pc) =	sbr.rel @!p0 .LBB2_11-.Ltmp3, $1  }
0x19: {  	_ =	sdelay $0x3  }
.LBB2_2:
0x1a: {  	s29 =	sshll.u32 s0, $0x3;
	s1 =	rddreg [dreg:$0x4]  }
0x1b: {  	[dreg:$0x7] =	wrdreg s0;
	s28 =	sadd.s32 s1, s29  }
0x1c: {  	s30 =	rddreg [dreg:$0x3];
	s0 =	sshll.u32 s28, $0x9  }
.Ltmp4:
0x1d: {  	s3 =	simm.s32 $0x0;
	s0 =	sadd.s32 s30, s0;
	(pc) =	sbr.rel .LBB2_3-.Ltmp4, $4  }
0x1e: {  	[tilespmem:s3], [sflag:$0x4] =	stream.linear.gather [hbm4b:s0+s3], $0x8000, $0x38;
	[tilespmem:$0x8C90] =	vst v63  }
0x1f: {  	_ =	swait.ge [sflag:s12], $0x8000  }
0x20: {  	[sflag:s12] =	ssyncset.done $0x0  }
0x21: {  	s14 =	simm.s32 $0x10;
	s31 =	simm.s32 $0x0;
	[sflag:s12] =	ssyncadd.s32 $0xFFFF8000  }
.LBB2_6:
0x22: {  	s10 =	smov.u32 @p0 s10  }
.LBB2_9:
0x23: {  	v9 =	vld [tilespmem:$0x8000]  }
0x24: {  	v10 =	vld [tilespmem:$0x8020];
	_ =	sdelay $0x1  }
0x25: {  	v11 =	vld [tilespmem:$0x8050]  }
0x26: {  	v13 =	vld [tilespmem:$0x8030]  }
0x27: {  	v14 =	vmov s10;
	v12 =	vbroadcast v9, $0x0  }
0x28: {  	v16 =	vmov s4;
	v58 =	vld [tilespmem:$0x8060];
	vm0 =	vgt.s32 v14, v0;
	v15 =	vbroadcast v10, $0x0  }
0x29: {  	v59 =	vld [tilespmem:$0x8070];
	v60 =	vmov s0;
	vm1 =	vgt.s32 v16, v0;
	v9 =	vsel vm0, v9, v12  }
0x2a: {  	v17 =	vld [tilespmem:$0x8080];
	vm7 =	vgt.s32 v16, v2;
	v10 =	vsel vm1, v10, v15;
	[tilespmem:$0x80E0] =	vst v9;
	v9 =	vbroadcast v11, $0x0  }
0x2b: {  	v61 =	vld [tilespmem:$0x8090];
	vm8 =	vgt.s32 v60, v0;
	[tilespmem:$0x80F0] =	vst v10;
	v10 =	vsel vm7, v13, v15  }
0x2c: {  	vm9 =	vgt.s32 v60, v2;
	[tilespmem:$0x8100] =	vst v10;
	v10 =	vsel vm8, v11, v9;
	v11 =	vld [tilespmem:$0x80A0]  }
0x2d: {  	v62 =	vld [tilespmem:$0x80B0];
	vm10 =	vgt.s32 v60, v3;
	[tilespmem:$0x8110] =	vst v10;
	v10 =	vsel vm9, v58, v9  }
0x2e: {  	v63 =	vld [tilespmem:$0x80C0];
	vm11 =	vgt.s32 v60, v4;
	[tilespmem:$0x8120] =	vst v10;
	v10 =	vsel vm10, v59, v9  }
0x2f: {  	vm12 =	vgt.s32 v60, v5;
	[tilespmem:$0x8130] =	vst v10;
	v10 =	vsel vm11, v17, v9  }
0x30: {  	vm13 =	vgt.s32 v60, v6;
	[tilespmem:$0x8140] =	vst v10;
	v10 =	vsel vm12, v61, v9  }
0x31: {  	vm14 =	vgt.s32 v60, v7;
	[tilespmem:$0x8150] =	vst v10;
	v10 =	vsel vm13, v11, v9  }
0x32: {  	vm15 =	vgt.s32 v60, v8;
	[tilespmem:$0x8160] =	vst v10;
	v10 =	vsel vm14, v62, v9  }
0x33: {  	v9 =	vsel vm15, v63, v9;
	[tilespmem:$0x8170] =	vst v10  }
0x34: {  	s11 =	simm.s32 $0x10;
	s1 =	simm.s32 $0x80E0;
	[tilespmem:$0x8180] =	vst v9  }
0x35: {  	[tilespmem:s15], [sflag:$0x1] =	stream.indirect.gather [hbm4b:s5+s11], $0x10, s1, s11, $0xb8;
	[tilespmem:$0x8C90] =	vst v63  }
0x36: {  	s16 =	simm.s32 $0x20  }
0x37: {  	[tilespmem:s18], [sflag:$0x2] =	stream.indirect.gather [hbm4b:s5+s16], $0x10, s17, s16, $0xb8;
	[tilespmem:$0x8C90] =	vst v63  }
0x38: {  	_ = 	snop  }
0x39: {  	[tilespmem:s21], [sflag:$0x3] =	stream.indirect.gather [hbm4b:s5+s19], $0x10, s20, s19, $0xb8;
	[tilespmem:$0x8C90] =	vst v63  }
0x3a: {  	_ =	swait.ge [sflag:s22], $0x100  }
0x3b: {  	[sflag:s22] =	ssyncset.done $0x0  }
0x3c: {  	s25 =	sor.u32 s28, s31;
	[sflag:s22] =	ssyncadd.s32 $0xFFFFFF00  }
0x3d: {  	s26 =	sshll.u32 s25, $0x5;
	s29 =	rddreg [dreg:$0x1]  }
0x3e: {  	s1 =	sadd.s32 s29, s26  }
0x3f: {  	[hbm4b:s1+s2] =	stream.linear.scatter [tilespmem:s15], [sflag:$0x4], $0x100, $0x38;
	[tilespmem:$0x8C90] =	vst v63  }
0x40: {  	_ =	swait.ge [sflag:s12], $0x100  }
0x41: {  	[sflag:s12] =	ssyncset.done $0x0  }
0x42: {  	[sflag:s12] =	ssyncadd.s32 $0xFFFFFF00  }
0x43: {  	_ =	swait.ge [sflag:s23], $0x200  }
0x44: {  	s30 =	sshll.u32 s25, $0x6;
	[sflag:s23] =	ssyncset.done $0x0  }
0x45: {  	s1 =	sadd.s32 s6, s30;
	[sflag:s23] =	ssyncadd.s32 $0xFFFFFE00  }
0x46: {  	[hbm4b:s1+s2] =	stream.linear.scatter [tilespmem:s18], [sflag:$0x4], $0x200, $0x38;
	[tilespmem:$0x8C90] =	vst v63  }
0x47: {  	_ =	swait.ge [sflag:s12], $0x200  }
0x48: {  	[sflag:s12] =	ssyncset.done $0x0  }
0x49: {  	[sflag:s12] =	ssyncadd.s32 $0xFFFFFE00  }
0x4a: {  	s31 =	sadd.s32 $0x1, s31;
	_ =	swait.ge [sflag:s24], $0x800  }
0x4b: {  	s0 =	sshll.u32 s25, $0x8;
	p0 =	sne.s32 s31, $0x8;
	[sflag:s24] =	ssyncset.done $0x0  }
.Ltmp5:
0x4c: {  	s0 =	sadd.s32 s7, s0;
	[sflag:s24] =	ssyncadd.s32 $0xFFFFF800;
	(pc) =	sbr.rel @!p0 .LBB2_10-.Ltmp5, $4  }
0x4d: {  	[hbm4b:s0+s2] =	stream.linear.scatter [tilespmem:s21], [sflag:$0x4], $0x800, $0x38;
	[tilespmem:$0x8C90] =	vst v63  }
0x4e: {  	_ =	swait.ge [sflag:s12], $0x800  }
0x4f: {  	[sflag:s12] =	ssyncset.done $0x0  }
0x50: {  	s3 =	sadd.s32 $0x1000, s3;
	s14 =	sadd.s32 $0x1000, s14;
	[sflag:s12] =	ssyncadd.s32 $0xFFFFF800  }
.LBB2_3:
0x51: {  	s0 =	simm.s32 $0x0;
	s26 =	smov.u32 s14  }
0x52: {  	s1 =	smov.u32 s13;
	s29 =	smov.u32 s3;
	s9 =	smov.u32 s8  }
0x53: {  	s4 =	simm.s32 $0x0;
	s10 =	simm.s32 $0x0;
	s25 =	simm.s32 $0x0  }
.LBB2_4:
0x54: {  	v9 =	vld [tilespmem:s29+$0x0];
	_ =	sdelay $0x4  }
0x55: {  	vm0 =	vle.f32 v9, $9.999999770e-03  }
0x56: {  	vm1 =	vle.f32 v9, $3.999999910e-02;
	v10 =	vsel vm0, $0x1, v1  }
0x57: {  	vm2 =	vle.f32 v9, $1.599999960e-01;
	v9 =	vsel vm1, $0x1, v1;
	(xrf0) =	vadd.scan.msk.s32 $0xffff, v10  }
0x58: {  	(xrf0) =	vadd.scan.msk.s32 $0xffff, v9;
	v9 =	vsel vm2, $0x1, v1  }
0x59: {  	(xrf0) =	vadd.scan.msk.s32 $0xffff, v9;
	_ =	sdelay $0x3  }
0x5a: {  	v9, _, _ =	vpop (xrf0)  }
0x5b: {  	v10, _, _ =	vpop (xrf0);
	(v2sf) =	vpush v9, $0xF  }
0x5c: {  	(v2sf) =	vpush v10, $0xF;
	v9, _, _ =	vpop (xrf0)  }
0x5d: {  	(v2sf) =	vpush v9, $0xF;
	_ =	sdelay $0xc  }
0x5e: {  	v9 =	vor.u32 s9, v0;
	s11 =	spop (v2sf)  }
0x5f: {  	[tilespmem:s10+$0x8000] =	vst.msk vm0, v9;
	s30 =	spop (v2sf)  }
0x60: {  	[tilespmem:s4+$0x8020] =	vst.msk vm1, v9;
	s16 =	sadd.s32 s10, s11;
	s4 =	sadd.s32 s4, s30;
	s11 =	spop (v2sf)  }
0x61: {  	[tilespmem:s0+$0x8050] =	vst.msk vm2, v9;
	p0 =	slt.s32 s16, $0x10;
	s10 =	smov.u32 s16;
	s0 =	sadd.s32 s0, s11  }
0x62: {  	p1 =	slt.s32 s4, $0x20;
	s10 =	simm.s32 @!p0 $0x10;
	p2 =	slt.s32 s0, $0x80  }
0x63: {  	p0 =	sgt.u32 s25, $0xFE;
	s4 =	simm.s32 @!p1 $0x20;
	p1 =	por p1, p2  }
0x64: {  	p1 =	por p0, !p1  }
.Ltmp6:
0x65: {  	_ = 	snop;
	(pc) =	sbr.rel @!p1 .LBB2_4-.Ltmp6, $4  }
0x66: {  	_ = 	snop  }
0x67: {  	s29 =	sadd.s32 $0x10, s29;
	s9 =	sadd.s32 $0x10, s9  }
0x68: {  	s30 =	smov.u32 s26;
	s26 =	sadd.s32 $0x10, s26;
	s11 =	smov.u32 s1  }
0x69: {  	s25 =	sadd.s32 $0x1, s25;
	s1 =	sadd.s32 $0x10, s1;
	s0 =	simm.s32 @!p2 $0x80  }
0x6a: {  	p1 =	slt.s32 @!p0 s16, $0x10  }
0x6b: {  	p1 =	por p0, !p1  }
.Ltmp7:
0x6c: {  	_ = 	snop;
	(pc) =	sbr.rel @p1 .LBB2_6-.Ltmp7, $1  }
0x6d: {  	_ =	sdelay $0x3  }
.LBB2_7:
0x6e: {  	v9 =	vld [tilespmem:s30+$0x0];
	_ =	sdelay $0x4  }
0x6f: {  	vm0 =	vle.f32 v9, $9.999999770e-03  }
0x70: {  	v9 =	vsel vm0, $0x1, v1  }
0x71: {  	(xrf0) =	vadd.scan.msk.s32 $0xffff, v9;
	_ =	sdelay $0x5  }
0x72: {  	v9, _, _ =	vpop (xrf0)  }
0x73: {  	(v2sf) =	vpush v9, $0xF;
	_ =	sdelay $0xe  }
0x74: {  	v9 =	vor.u32 s11, v0;
	s1 =	spop (v2sf)  }
0x75: {  	p0 =	sgt.u32 s25, $0xFE;
	[tilespmem:s10+$0x8000] =	vst.msk vm0, v9;
	s10 =	sadd.s32 s10, s1  }
0x76: {  	p1 =	slt.s32 @!p0 s10, $0x10  }
0x77: {  	p1 =	por p0, !p1  }
.Ltmp8:
0x78: {  	_ = 	snop;
	(pc) =	sbr.rel @!p1 .LBB2_7-.Ltmp8, $3  }
0x79: {  	_ =	sdelay $0x1  }
0x7a: {  	s25 =	sadd.s32 $0x1, s25;
	p2 =	slt.s32 s10, $0x10  }
0x7b: {  	s30 =	sadd.s32 $0x10, s30;
	s11 =	sadd.s32 $0x10, s11;
	s10 =	simm.s32 @!p2 $0x10  }
.Ltmp9:
0x7c: {  	(pc) =	sbr.rel .LBB2_9-.Ltmp9, $2  }
0x7d: {  	_ =	sdelay $0x2  }
0x7e: {  	s10 =	smov.u32 @p0 s10  }
.LBB2_12:
0x7f: {  	_ =	sfence.sel $0x180000  }
0x80: {  	[bflag:$0x0] =	sbarrier.arrive $0xFFFF  }
0x81: {  	_ =	strace $0x9000004A  }
0x82: {  	s0 =	stileid.u32;
	[bflag:$0x2] =	sbarrier.arrive $0xFFFF  }
0x83: {  	p0 =	sne.s32 s0, $0x0;
	s0 =	rddreg [dreg:$0x2]  }
0x84: {  	s0 =	sadd.s32 @!p0 $0x100000, s0  }
0x85: {  	[sflag:s0] =	ssyncadd.tile.s32 @!p0 $0x1;
	_ =	shalt  }
.Lfunc_end2:
_tile_overlayer_lowered:
.L_overlay_start_2:
0x86: {  	(tag) =	ssettag $0x2  }
0x87: {  	s0 =	rddreg [dreg:$0x0];
	s2 =	stileid.u32  }
0x88: {  	s1 =	rddreg [dreg:$0x1];
	p0 =	sne.s32 s2, $0x0  }
0x89: {  	s3 =	rddreg [dreg:$0x2];
	[bflag:$0x3] =	sbarrier.arrive $0xFFFF;
	s2 =	simm.s32 @!p0 $0x1C04  }
0x8a: {  	[timem:s3], [sflag:s2] =	dma.local @!p0 [hbm:s0], s1  }
0x8b: {  	s0 =	simm.s32 @!p0 $0x4  }
0x8c: {  	_ =	swait.ge @!p0 [sflag:s0], s1  }
0x8d: {  	s1 =	ssub.s32 @!p0 $0x0, s1;
	[sflag:s0] =	ssyncset.done @!p0 $0x0  }
0x8e: {  	[sflag:s0] =	ssyncadd.s32 @!p0 s1  }
0x8f: {  	[bflag:$0x3] =	sbarrier.arrive $0xFFFF  }
0x90: {  	_ =	shalt  }

// kernel: sparse-core-data-format-call.cloned.1.call-start
scs
called_computation_lowered:
.L_overlay_start_0:
0x0: {  	s1 =	sld [smem:$0x3FD9]  }
0x1: {  	s2 =	sld [smem:$0x3FFE];
	_ =	sdelay $0x1  }
0x2: {  	s3 =	srdreg.scid  }
0x3: {  	s0 =	sand.u32 $0x1, s3  }
0x4: {  	s17 =	sshll.u32 s0, $0xA;
	s1 =	sadd.s32 s2, s1  }
0x5: {  	s1 =	sadd.s32 s1, s17  }
0x6: {  	[smem:$0x3FA2] =	sst s1  }
0x7: {  	_ = 	snop  }
0x8: {  	(tm) =	ssettm $0x1  }
0x9: {  	s18 =	sld [smem:$0x3FFB];
	_ =	sdelay $0x3  }
0xa: {  	_ =	strace s18  }
0xb: {  	s1 =	sld [smem:$0x3FFC];
	_ =	sdelay $0x3  }
0xc: {  	_ =	strace s1  }
0xd: {  	s1 =	sld [smem:$0x3FFD];
	_ =	sdelay $0x3  }
0xe: {  	_ =	strace s1  }
0xf: {  	_ =	strace $0x8FFFFFFF  }
0x10: {  	s19 =	sld [smem:$0x3FDB];
	_ =	sdelay $0x1  }
0x11: {  	s20 =	simm.s32 $_scs_section_size  }
0x12: {  	s4 =	simm.s32 $_size__tile_overlayer_lowered;
	s5 =	simm.s32 $_tile_overlayer_lowered  }
0x13: {  	s23 =	simm.s32 $0x1BFF;
	s22 =	sshll.u32 s5, $0x1;
	s1 =	sadd.s32 s20, s19  }
0x14: {  	s6 =	simm.s32 $0x0;
	s21 =	sshll.u32 s4, $0x1;
	s4 =	sadd.s32 s22, s1  }
0x15: {  	[timem:s6], [sflag:s23] =	dma.local [hbm:s4], s21  }
0x16: {  	_ =	swait.ge [sflag:s23], s21  }
0x17: {  	s2 =	ssub.s32 $0x0, s21;
	[sflag:s23] =	ssyncset.done $0x0  }
0x18: {  	[sflag:s23] =	ssyncadd.s32 s2;
	_ =	sdelay $0x1  }
0x19: {  	s24 =	simm.s32 $0x1B8B  }
0x1a: {  	_ =	swait.ge [sflag:s24], $0x1  }
0x1b: {  	[sflag:s24] =	ssyncset.done $0x0  }
0x1c: {  	s26 =	simm.s32 $0x1B8E;
	s25 =	sld [smem:$0x3FFE];
	[sflag:s24] =	ssyncadd.s32 $0xFFFFFFFF  }
0x1d: {  	s27 =	simm.s32 $execute0_lowered;
	[smem:$0x3FD2] =	sst s26  }
0x1e: {  	s4 =	sshll.u32 s27, $0x1;
	_ =	strace $0x80000046;
	[dreg:$0x1] =	wrdreg $0xFFFFFFFF  }
0x1f: {  	s28 =	simm.s32 $_size_execute0_lowered;
	s1 =	sadd.s32 s1, s4;
	[dreg:$0x0] =	wrdreg $0x0  }
0x20: {  	s4 =	sshll.u32 s28, $0x1;
	[dreg:$0x2] =	wrdreg s1  }
0x21: {  	[dreg:$0x3] =	wrdreg s4  }
0x22: {  	[dreg:$0x4] =	wrdreg $0xC0  }
0x23: {  	_ =	task [dreg:s6], $0x5FFFF  }
0x24: {  	[dreg:$0x1] =	wrdreg $0xFFFFFFFF  }
0x25: {  	[dreg:$0x0] =	wrdreg $0x60  }
0x26: {  	[dreg:$0x2] =	wrdreg s25  }
0x27: {  	[dreg:$0x3] =	wrdreg $0x9  }
0x28: {  	_ =	task.clear_ibuf [dreg:s6], $0x4FFFF;
	_ =	strace $0x90000046  }
0x29: {  	s29 =	simm.s32 $0x9;
	_ =	strace $0x80000048  }
0x2a: {  	_ =	swait.ge [sflag:s29], $0x1  }
0x2b: {  	[sflag:s29] =	ssyncadd.s32 $0xFFFFFFFF  }
0x2c: {  	_ =	strace $0x90000048  }
0x2d: {  	_ =	sfence  }
0x2e: {  	s30 =	sld [smem:$0x0];
	_ =	sdelay $0x2  }
0x2f: {  	s31 =	sshll.u32 s3, $0xD;
	s3 =	sshrl.u32 s3, $0x2  }
0x30: {  	s2 =	sand.u32 $0x4000, s31;
	s1 =	sadd.s32 s3, s30  }
0x31: {  	s0 =	sor.u32 s2, s0;
	s1 =	sshll.u32 s1, $0x11  }
0x32: {  	s0 =	sor.u32 s1, s0  }
0x33: {  	s0 =	sadd.s32 $0x8F2B, s0  }
0x34: {  	[sflag:s0] =	ssyncadd.remote.s32 $0x1  }
0x35: {  	_ =	sfence.sel $0xFFFF  }
0x36: {  	[dreg:$0x0] =	wrdreg $0xFFFFFFFF;
	(pc) =	sbr.abs _section_cstart, $3  }
0x37: {  	[dreg:$0x1] =	wrdreg $0xFFFFFFFF  }
0x38: {  	_ =	task.clear_ibuf [dreg:s6], $0x2FFFF;
	_ =	strace $0x9FFFFFFF  }
0x39: {  	(tm) =	ssettm $0x7FFFFFFF  }
tec
execute0_lowered:
.L_overlay_start_1:
0x0: {  	(tag) =	ssettag $0x1  }
0x1: {  	s1 =	rddreg [dreg:$0x0]  }
0x2: {  	s0 =	rddreg [dreg:$0x1]  }
0x3: {  	_ =	strace $0x80000047;
	s4 =	srdreg.scid;
	s6 =	simm.s32 $0x2  }
0x4: {  	s11 =	simm.s32 $0x0;
	p0 =	por $0x0, $0x0;
	s7 =	simm.s32 $0x1000  }
.Ltmp0:
0x5: {  	s12 =	simm.s32 $0x0;
	s9 =	simm.s32 $0x0;
	(pc) =	sbr.rel .LBB1_1-.Ltmp0, $4  }
0x6: {  	s2 =	sadd.s32 $0xE600, s1;
	s3 =	sadd.s32 $0x20E600, s1;
	s5 =	sshll.u32 s4, $0x4  }
0x7: {  	s1 =	stileid.u32;
	s4 =	simm.s32 $0x1;
	s5 =	sand.u32 $0x10, s5  }
0x8: {  	s8 =	simm.s32 $0x0;
	[sflag:s4] =	ssyncpa.u1 $0x0;
	s5 =	sor.u32 s1, s5  }
0x9: {  	[sflag:s6] =	ssyncpa.u1 $0x0;
	s6 =	simm.s32 $0x800;
	s10 =	smov.u32 s5  }
.LBB1_7:
0xa: {  	s13 =	sadd.s32 $0x10, s9  }
0xb: {  	s11 =	sadd.s32 $0x20, s10;
	s15 =	smov.u32 s10;
	p2 =	sgt.s32 s13, $0x1F  }
0xc: {  	p1 =	slt.u32 s8, $0x2;
	s15 =	smov.u32 @p2 s11  }
0xd: {  	s8 =	sadd.s32 $0x1, s8;
	s13 =	simm.s32 @p2 $0x0;
	p2 =	sgt.s32 s15, $0x1FF  }
0xe: {  	s15 =	smov.u32 @p2 s5;
	p2 =	sne.s32 s8, $0x22  }
.Ltmp1:
0xf: {  	_ = 	snop;
	(pc) =	sbr.rel @!p2 .LBB1_8-.Ltmp1, $4  }
0x10: {  	s14 =	simm.s32 @!p1 $0x2  }
0x11: {  	s12 =	smov.u32 s10;
	_ =	swait.ge @!p1 [sflag:s14], $0x4000  }
0x12: {  	p0 =	por !p0, !p0;
	s11 =	smov.u32 s9;
	[sflag:s14] =	ssyncset.done @!p1 $0x0  }
0x13: {  	s9 =	smov.u32 s13;
	[sflag:s14] =	ssyncadd.s32 @!p1 $0xFFFFC000;
	s10 =	smov.u32 s15  }
.LBB1_1:
0x14: {  	p1 =	sgt.u32 s8, $0x1F  }
0x15: {  	s13 =	sxor.u32 @!p1 $0xFFFFFFFF, s8;
	s14 =	sshll.u32 @!p1 s10, $0xC  }
0x16: {  	s15 =	sshll.u32 @!p1 s9, $0x7;
	s13 =	sshll.u32 @!p1 s13, $0xE;
	s14 =	sadd.s32 @!p1 s2, s14  }
0x17: {  	s13 =	sand.u32 @!p1 $0x4000, s13;
	s14 =	sadd.s32 @!p1 s15, s14;
	s15 =	simm.s32 @!p1 $0x0  }
0x18: {  	[tilespmem:s13], [sflag:$0x1] =	stream.linear.gather @!p1 [hbm4b:s14+s15], $0x4000, $0x38;
	[tilespmem:$0x10000] =	vst v63  }
0x19: {  	p1 =	seq.s32 s8, $0x0  }
0x1a: {  	p2 =	seq.s32 @!p1 s8, $0x21  }
0x1b: {  	p1 =	por p1, p2  }
.Ltmp2:
0x1c: {  	_ = 	snop;
	(pc) =	sbr.rel @p1 .LBB1_7-.Ltmp2, $1  }
0x1d: {  	_ =	sdelay $0x3  }
0x1e: {  	s13 =	simm.s32 $0x1;
	_ =	swait.ge [sflag:s4], $0x4000;
	s16 =	sshll.u32 s8, $0xE  }
0x1f: {  	s13 =	simm.s32 @!p0 $0x0;
	[sflag:s4] =	ssyncset.done $0x0;
	s31 =	sand.u32 $0x4000, s16  }
0x20: {  	s16 =	simm.s32 $0x0;
	s14 =	sshll.u32 s13, $0xE;
	[sflag:s4] =	ssyncadd.s32 $0xFFFFC000  }
0x21: {  	s13 =	sor.u32 $0x8040, s14;
	s15 =	sor.u32 $0x40, s14;
	s14 =	sor.u32 $0x8000, s31  }
.LBB1_3:
0x22: {  	v0 =	vmov s15;
	_ =	sdelay $0x3  }
0x23: {  	s18 =	simm.s32 $0x0  }
0x24: {  	v6 =	vld.idx.msk [tilespmem:v0+s18+$0x30 ss:$0x1], $0xffff  }
0x25: {  	v7 =	vld.idx.msk [tilespmem:v0+s18+$0xFFFFFFC0 ss:$0x1], $0xffff  }
0x26: {  	v5 =	vld.idx.msk [tilespmem:v0+s18+$0xFFFFFFD0 ss:$0x1], $0xffff  }
0x27: {  	v4 =	vld.idx.msk [tilespmem:v0+s18+$0xFFFFFFE0 ss:$0x1], $0xffff  }
0x28: {  	v3 =	vld.idx.msk [tilespmem:v0+s18+$0xFFFFFFF0 ss:$0x1], $0xffff  }
0x29: {  	v1 =	vld.idx.msk [tilespmem:v0+s18+$0x0 ss:$0x1], $0xffff  }
0x2a: {  	v2 =	vld.idx.msk [tilespmem:v0+s18+$0x10 ss:$0x1], $0xffff;
	[tilespmem:s13+$0x30] =	vst v6  }
0x2b: {  	s17 =	simm.s32 $0x80;
	s19 =	simm.s32 $0x400;
	[tilespmem:s13+$0xFFFFFFC0] =	vst v7;
	v6 =	vld.idx.msk [tilespmem:v0+s18+$0x20 ss:$0x1], $0xffff;
	s18 =	smov.u32 s13  }
.LBB1_4:
0x2c: {  	p1 =	sne.s32 s19, $0xE00;
	v7 =	vld.idx.msk [tilespmem:v0+s17+$0x30 ss:$0x1], $0xffff;
	[tilespmem:s18+$0xFFFFFFD0] =	vst v5  }
0x2d: {  	v8 =	vld.idx.msk [tilespmem:v0+s17+$0xFFFFFFC0 ss:$0x1], $0xffff;
	[tilespmem:s18+$0xFFFFFFE0] =	vst v4  }
0x2e: {  	v5 =	vld.idx.msk [tilespmem:v0+s17+$0xFFFFFFD0 ss:$0x1], $0xffff;
	[tilespmem:s18+$0xFFFFFFF0] =	vst v3  }
.Ltmp3:
0x2f: {  	v4 =	vld.idx.msk [tilespmem:v0+s17+$0xFFFFFFE0 ss:$0x1], $0xffff;
	[tilespmem:s18+$0x0] =	vst v1;
	(pc) =	sbr.rel @p1 .LBB1_4-.Ltmp3, $4  }
0x30: {  	v3 =	vld.idx.msk [tilespmem:v0+s17+$0xFFFFFFF0 ss:$0x1], $0xffff;
	[tilespmem:s18+$0x10] =	vst v2  }
0x31: {  	v1 =	vld.idx.msk [tilespmem:v0+s17+$0x0 ss:$0x1], $0xffff;
	[tilespmem:s18+$0x20] =	vst v6;
	s18 =	sadd.s32 $0x800, s18  }
0x32: {  	v2 =	vld.idx.msk [tilespmem:v0+s17+$0x10 ss:$0x1], $0xffff;
	[tilespmem:s18+$0x30] =	vst v7  }
0x33: {  	[tilespmem:s18+$0xFFFFFFC0] =	vst v8;
	v6 =	vld.idx.msk [tilespmem:v0+s17+$0x20 ss:$0x1], $0xffff;
	s17 =	sshra.s32 s19, $0x2;
	s19 =	sadd.s32 $0x200, s19  }
0x34: {  	_ =	sdelay $0x2  }
0x35: {  	[tilespmem:s18+$0xFFFFFFD0] =	vst v5  }
0x36: {  	v56 =	vld.idx.msk [tilespmem:v0+s17+$0x30 ss:$0x1], $0xffff;
	[tilespmem:s18+$0xFFFFFFE0] =	vst v4  }
0x37: {  	v57 =	vld.idx.msk [tilespmem:v0+s17+$0xFFFFFFC0 ss:$0x1], $0xffff;
	[tilespmem:s18+$0xFFFFFFF0] =	vst v3  }
0x38: {  	v58 =	vld.idx.msk [tilespmem:v0+s17+$0xFFFFFFD0 ss:$0x1], $0xffff;
	[tilespmem:s18+$0x0] =	vst v1  }
0x39: {  	v59 =	vld.idx.msk [tilespmem:v0+s17+$0xFFFFFFE0 ss:$0x1], $0xffff;
	[tilespmem:s18+$0x10] =	vst v2  }
0x3a: {  	v60 =	vld.idx.msk [tilespmem:v0+s17+$0xFFFFFFF0 ss:$0x1], $0xffff;
	s31 =	sadd.s32 $0x800, s18;
	[tilespmem:s18+$0x20] =	vst v6  }
0x3b: {  	v61 =	vld.idx.msk [tilespmem:v0+s17+$0x0 ss:$0x1], $0xffff;
	[tilespmem:s31+$0x30] =	vst v56  }
0x3c: {  	v62 =	vld.idx.msk [tilespmem:v0+s17+$0x10 ss:$0x1], $0xffff;
	s16 =	sadd.s32 $0x1, s16;
	[tilespmem:s31+$0xFFFFFFC0] =	vst v57  }
0x3d: {  	v63 =	vld.idx.msk [tilespmem:v0+s17+$0x20 ss:$0x1], $0xffff;
	p1 =	sne.s32 s16, $0x10;
	[tilespmem:s31+$0xFFFFFFD0] =	vst v58  }
.Ltmp4:
0x3e: {  	[tilespmem:s31+$0xFFFFFFE0] =	vst v59;
	(pc) =	sbr.rel @p1 .LBB1_3-.Ltmp4, $4  }
0x3f: {  	[tilespmem:s31+$0xFFFFFFF0] =	vst v60  }
0x40: {  	[tilespmem:s31+$0x0] =	vst v61  }
0x41: {  	[tilespmem:s31+$0x10] =	vst v62  }
0x42: {  	s13 =	sadd.s32 $0x80, s13;
	s15 =	sadd.s32 $0x400, s15;
	[tilespmem:s31+$0x20] =	vst v63  }
.Ltmp5:
0x43: {  	(pc) =	sbr.rel .LBB1_7-.Ltmp5, $4  }
0x44: {  	s12 =	sshll.u32 s12, $0xC;
	s11 =	sshll.u32 s11, $0x4  }
0x45: {  	s11 =	sand.u32 $0x1F0, s11;
	s12 =	sadd.s32 s3, s12  }
0x46: {  	s11 =	sadd.s32 s11, s12  }
0x47: {  	[hbm4b:s11+s6] =	stream.strided.scatter [tilespmem:s14], [sflag:$0x2], $0x4000, s7, s6, $0x38;
	[tilespmem:$0x10000] =	vst v63  }
.LBB1_8:
0x48: {  	_ =	sfence.sel $0x180000  }
0x49: {  	s2 =	simm.s32 $0x1;
	[bflag:$0x0] =	sbarrier.arrive $0xFFFF  }
0x4a: {  	s31 =	simm.s32 $0x2;
	[sflag:s2] =	ssyncpa.u1 $0x1  }
0x4b: {  	[sflag:s31] =	ssyncpa.u1 $0x1  }
0x4c: {  	p0 =	sne.s32 s1, $0x0;
	_ =	strace $0x90000047  }
0x4d: {  	s0 =	sadd.s32 @!p0 $0x100000, s0;
	[bflag:$0x2] =	sbarrier.arrive $0xFFFF  }
0x4e: {  	[sflag:s0] =	ssyncadd.tile.s32 @!p0 $0x1;
	_ =	shalt  }
.Lfunc_end1:
_tile_overlayer_lowered:
.L_overlay_start_2:
0x4f: {  	(tag) =	ssettag $0x2  }
0x50: {  	s0 =	rddreg [dreg:$0x0];
	s2 =	stileid.u32  }
0x51: {  	s1 =	rddreg [dreg:$0x1];
	p0 =	sne.s32 s2, $0x0  }
0x52: {  	s3 =	rddreg [dreg:$0x2];
	[bflag:$0x3] =	sbarrier.arrive $0xFFFF;
	s2 =	simm.s32 @!p0 $0x1C01  }
0x53: {  	[timem:s3], [sflag:s2] =	dma.local @!p0 [hbm:s0], s1  }
0x54: {  	s0 =	simm.s32 @!p0 $0x1  }
0x55: {  	_ =	swait.ge @!p0 [sflag:s0], s1  }
0x56: {  	s1 =	ssub.s32 @!p0 $0x0, s1;
	[sflag:s0] =	ssyncset.done @!p0 $0x0  }
0x57: {  	[sflag:s0] =	ssyncadd.s32 @!p0 s1  }
0x58: {  	[bflag:$0x3] =	sbarrier.arrive $0xFFFF  }
0x59: {  	_ =	shalt  }

</sc_bundles>
